<compile_context>
chip_gen: v7x
topology: tpu7x:2x2x1
jax: 0.10.2.dev20260603
libtpu: 0.0.44.dev20260713+nightly
codegen_flags: <defaults>
</compile_context>

<pallas_src>
import functools

import jax
import jax.numpy as jnp
from jax import lax
from jax.experimental import pallas as pl
from jax.experimental.pallas import tpu as pltpu
from jax.experimental.pallas import tpu_sc as plsc

BATCH = 16384
DIM = 512
L = 16

NC = 2
NS = 16
NW = NC * NS
BPW = BATCH // NW
CHUNK = 32
NCHUNK = BPW // CHUNK
NBUF = 4

_mesh = plsc.VectorSubcoreMesh(
    core_axis_name="c", subcore_axis_name="s", num_cores=NC, num_subcores=NS)


@functools.partial(
    pl.kernel,
    out_type=jax.ShapeDtypeStruct((BATCH, DIM), jnp.float32),
    mesh=_mesh,
    scratch_types=[
        pltpu.VMEM((BPW,), jnp.int32),
        pltpu.VMEM((2, DIM), jnp.float32),
        pltpu.VMEM((NBUF, CHUNK, DIM), jnp.float32),
        pltpu.SemaphoreType.DMA((NBUF,)),
    ],
)
def _embed_sc(cond_hbm, w_hbm, out_hbm, cond_v, wv, rows_v, sems):
    wid = lax.axis_index("s") * NC + lax.axis_index("c")
    base = wid * BPW

    pltpu.sync_copy(cond_hbm.at[pl.ds(base, BPW)], cond_v)
    pltpu.sync_copy(w_hbm, wv)

    def chunk_body(ch, _):
        p = lax.rem(ch, NBUF)
        row0 = ch * CHUNK
        dst = out_hbm.at[pl.ds(base + row0, CHUNK)]

        @pl.when(ch >= NBUF)
        def _():
            pltpu.make_async_copy(rows_v.at[p], dst, sems.at[p]).wait()

        for g in range(CHUNK // L):
            cvec = cond_v[pl.ds(row0 + g * L, L)].astype(jnp.float32)
            cf = [
                cvec.at[jnp.full((L,), r, jnp.int32)].get(
                    mode="promise_in_bounds")
                for r in range(L)
            ]
            cg = [1.0 - cf[r] for r in range(L)]

            @plsc.parallel_loop(0, DIM // L, step=1, unroll=2)
            def _col(j, _g=g, _cf=cf, _cg=cg):
                w0j = wv[0, pl.ds(j * L, L)]
                w1j = wv[1, pl.ds(j * L, L)]
                for r in range(L):
                    rows_v[p, _g * L + r, pl.ds(j * L, L)] = (
                        _cf[r] * w1j + _cg[r] * w0j)

        pltpu.async_copy(rows_v.at[p], dst, sems.at[p])
        return _

    lax.fori_loop(0, NCHUNK, chunk_body, None)
    for i in range(NBUF):
        pltpu.make_async_copy(
            rows_v.at[i], out_hbm.at[pl.ds(base, CHUNK)], sems.at[i]).wait()


def kernel(condition, embed_weight):
    return _embed_sc(condition, embed_weight)

# --- scband reference (transcript-rebuilt; emitter-appended) ---
"""Pipeline reference for scband-condition-embed-35338990911917 (READ-ONLY COPY).

The authoritative reference and input builder live on the scoring server;
editing this copy changes nothing except your own understanding.
"""

import jax, jax.numpy as jnp
import numpy as np

BATCH = 16384
DIM = 512
NUM_EMB = 2

def setup_inputs(seed: int = 0) -> dict:
    key = jax.random.key(seed)
    k1, k2 = jax.random.split(key)
    condition = jax.random.randint(k1, (BATCH,), 0, NUM_EMB, dtype=jnp.int32)
    # embedding table, matches nn.Embedding(num_embeddings=2, embedding_dim=dim) init ~ N(0,1)
    embed_weight = jax.random.normal(k2, (NUM_EMB, DIM), dtype=jnp.float32)
    return {"condition": condition, "embed_weight": embed_weight}

def reference(condition, embed_weight):
    batch_size = condition.shape[0]
    idx = condition.astype(jnp.int32)
    out = jnp.take(embed_weight, idx, axis=0)
    return out.reshape(batch_size, -1)

if __name__ == "__main__":
    import jax
    _d = setup_inputs()
    print(jax.jit(kernel)(*tuple(_d.values())))

</pallas_src>

<mosaic_0001>
#map = affine_map<(d0, d1) -> (0)>
#map1 = affine_map<(d0, d1) -> (0, 0)>
module attributes {stable_mosaic.version = 14 : i64} {
  func.func @_embed_sc(%arg0: i32, %arg1: i32, %arg2: memref<16384xi32, #tpu.memory_space<hbm>>, %arg3: memref<2x512xf32, #tpu.memory_space<hbm>>, %arg4: memref<16384x512xf32, #tpu.memory_space<hbm>>, %arg5: memref<512xi32, #tpu.memory_space<vmem>>, %arg6: memref<2x512xf32, #tpu.memory_space<vmem>>, %arg7: memref<4x32x512xf32, #tpu.memory_space<vmem>>, %arg8: memref<4x!tpu.dma_semaphore, #tpu.memory_space<semaphore_mem>>) attributes {dimension_semantics = [#tpu.dimension_semantics<core_parallel>, #tpu.dimension_semantics<subcore_parallel>], iteration_bounds = array<i64: 2, 16>, scalar_prefetch = 0 : i64, scratch_operands = 4 : i64, tpu.core_type = #tpu.core_type<sc_vector_subcore>, window_params = [{transform_indices = #map}, {transform_indices = #map1}, {transform_indices = #map1}]} {
    %mul3A = arith.constant 2 : i32
    %mul3A_0 = arith.muli %arg1, %mul3A : i32
    %add3A = arith.addi %mul3A_0, %arg0 : i32
    %mul3A_1 = arith.constant 512 : i32
    %mul3A_2 = arith.muli %add3A, %mul3A_1 : i32
    "tpu.region"() ({
      %run_scoped3A = tpu.sem_alloc : memref<!tpu.dma_semaphore, #tpu.memory_space<semaphore_mem>>
      %dma_start3A = tpu.memref_slice %arg2[%mul3A_2] : memref<16384xi32, #tpu.memory_space<hbm>> -> memref<512xi32, #tpu.memory_space<hbm>>
      %dma_start3A_70 = tpu.memref_slice %arg2[%mul3A_2] : memref<16384xi32, #tpu.memory_space<hbm>> -> memref<512xi32, #tpu.memory_space<hbm>>
      tpu.enqueue_dma source(%dma_start3A_70 : memref<512xi32, #tpu.memory_space<hbm>>) target(%arg5 : memref<512xi32, #tpu.memory_space<vmem>>) target_semaphore(%run_scoped3A : memref<!tpu.dma_semaphore, #tpu.memory_space<semaphore_mem>>)
      %dma_wait3A_71 = tpu.memref_slice %arg2[%mul3A_2] : memref<16384xi32, #tpu.memory_space<hbm>> -> memref<512xi32, #tpu.memory_space<hbm>>
      %dma_wait3A_72 = tpu.memref_slice %arg2[%mul3A_2] : memref<16384xi32, #tpu.memory_space<hbm>> -> memref<512xi32, #tpu.memory_space<hbm>>
      tpu.wait_dma2 semaphore(%run_scoped3A : memref<!tpu.dma_semaphore, #tpu.memory_space<semaphore_mem>>) src(%dma_wait3A_72 : memref<512xi32, #tpu.memory_space<hbm>>) dst(%arg5 : memref<512xi32, #tpu.memory_space<vmem>>)
      tpu.yield
    }) : () -> ()
    "tpu.region"() ({
      %run_scoped3A = tpu.sem_alloc : memref<!tpu.dma_semaphore, #tpu.memory_space<semaphore_mem>>
      tpu.enqueue_dma source(%arg3 : memref<2x512xf32, #tpu.memory_space<hbm>>) target(%arg6 : memref<2x512xf32, #tpu.memory_space<vmem>>) target_semaphore(%run_scoped3A : memref<!tpu.dma_semaphore, #tpu.memory_space<semaphore_mem>>)
      tpu.wait_dma2 semaphore(%run_scoped3A : memref<!tpu.dma_semaphore, #tpu.memory_space<semaphore_mem>>) src(%arg3 : memref<2x512xf32, #tpu.memory_space<hbm>>) dst(%arg6 : memref<2x512xf32, #tpu.memory_space<vmem>>)
      tpu.yield
    }) : () -> ()
    %scan3A = arith.constant 0 : i32
    %scan3A_3 = arith.constant 16 : i32
    %scan3A_4 = arith.addi %scan3A, %scan3A_3 : i32
    %scan3A_5 = arith.constant 1 : i32
    scf.for %scan3A_70 = %scan3A to %scan3A_4 step %scan3A_5  : i32 {
      %rem3A = arith.constant 4 : i32
      %rem3A_71 = arith.remsi %scan3A_70, %rem3A : i32
      %mul3A_72 = arith.constant 32 : i32
      %mul3A_73 = arith.muli %scan3A_70, %mul3A_72 : i32
      %add3A_74 = arith.addi %mul3A_2, %mul3A_73 : i32
      %ge3A = arith.constant 4 : i32
      %ge3A_75 = arith.cmpi sge, %scan3A_70, %ge3A : i32
      %convert_element_type3A = arith.extui %ge3A_75 : i1 to i32
      %cond3A = arith.constant 0 : i32
      %cond3A_76 = arith.cmpi ne, %convert_element_type3A, %cond3A : i32
      scf.if %cond3A_76 {
        %dma_wait3A_581 = arith.constant 0 : i32
        %dma_wait3A_582 = arith.constant 0 : i32
        %dma_wait3A_583 = tpu.memref_slice %arg7[%rem3A_71, %dma_wait3A_581, %dma_wait3A_582] : memref<4x32x512xf32, #tpu.memory_space<vmem>> -> memref<1x32x512xf32, #tpu.memory_space<vmem>>
        %dma_wait3A_584 = tpu.memref_squeeze %dma_wait3A_583 : memref<1x32x512xf32, #tpu.memory_space<vmem>> -> memref<32x512xf32, #tpu.memory_space<vmem>>
        %dma_wait3A_585 = arith.constant 0 : i32
        %dma_wait3A_586 = tpu.memref_slice %arg4[%add3A_74, %dma_wait3A_585] : memref<16384x512xf32, #tpu.memory_space<hbm>> -> memref<32x512xf32, #tpu.memory_space<hbm>>
        %dma_wait3A_587 = tpu.memref_slice %arg8[%rem3A_71] : memref<4x!tpu.dma_semaphore, #tpu.memory_space<semaphore_mem>> -> memref<1x!tpu.dma_semaphore, #tpu.memory_space<semaphore_mem>>
        %dma_wait3A_588 = tpu.memref_squeeze %dma_wait3A_587 : memref<1x!tpu.dma_semaphore, #tpu.memory_space<semaphore_mem>> -> memref<!tpu.dma_semaphore, #tpu.memory_space<semaphore_mem>>
        %dma_wait3A_589 = arith.constant 0 : i32
        %dma_wait3A_590 = tpu.memref_slice %arg4[%add3A_74, %dma_wait3A_589] : memref<16384x512xf32, #tpu.memory_space<hbm>> -> memref<32x512xf32, #tpu.memory_space<hbm>>
        %dma_wait3A_591 = arith.constant 0 : i32
        %dma_wait3A_592 = arith.constant 0 : i32
        %dma_wait3A_593 = tpu.memref_slice %arg7[%rem3A_71, %dma_wait3A_591, %dma_wait3A_592] : memref<4x32x512xf32, #tpu.memory_space<vmem>> -> memref<1x32x512xf32, #tpu.memory_space<vmem>>
        %dma_wait3A_594 = tpu.memref_squeeze %dma_wait3A_593 : memref<1x32x512xf32, #tpu.memory_space<vmem>> -> memref<32x512xf32, #tpu.memory_space<vmem>>
        tpu.wait_dma2 semaphore(%dma_wait3A_588 : memref<!tpu.dma_semaphore, #tpu.memory_space<semaphore_mem>>) src(%dma_wait3A_594 : memref<32x512xf32, #tpu.memory_space<vmem>>) dst(%dma_wait3A_590 : memref<32x512xf32, #tpu.memory_space<hbm>>)
      } else {
      }
      %add3A_77 = arith.constant 0 : i32
      %add3A_78 = arith.addi %mul3A_73, %add3A_77 : i32
      %get3A = arith.index_cast %add3A_78 : i32 to index
      %get3A_79 = tpu.vector_load %arg5[%get3A] {strides = array<i32>} : memref<512xi32, #tpu.memory_space<vmem>>, vector<16xi32>,
      %get3A_80 = vector.shape_cast %get3A_79 : vector<16xi32> to vector<16xi32>
      %convert_element_type3A_81 = arith.sitofp %get3A_80 : vector<16xi32> to vector<16xf32>
      %broadcast_in_dim3A = arith.constant 0 : i32
      %broadcast_in_dim3A_82 = vector.broadcast %broadcast_in_dim3A : i32 to vector<16xi32>
      %lt3A = arith.constant 0 : i32
      %lt3A_83 = vector.broadcast %lt3A : i32 to vector<16xi32>
      %lt3A_84 = arith.cmpi slt, %broadcast_in_dim3A_82, %lt3A_83 : vector<16xi32>
      %add3A_85 = arith.constant 16 : i32
      %add3A_86 = vector.broadcast %add3A_85 : i32 to vector<16xi32>
      %add3A_87 = arith.addi %broadcast_in_dim3A_82, %add3A_86 : vector<16xi32>
      %select_n3A = arith.select %lt3A_84, %add3A_87, %broadcast_in_dim3A_82 : vector<16xi1>, vector<16xi32>
      %broadcast_in_dim3A_88 = vector.shape_cast %select_n3A : vector<16xi32> to vector<16x1xi32>
      %gather3A = vector.shape_cast %broadcast_in_dim3A_88 : vector<16x1xi32> to vector<16xi32>
      %gather3A_89 = tpu.dynamic_gather %convert_element_type3A_81[%gather3A] in [0] : vector<16xf32>, vector<16xi32> -> vector<16xf32>
      %broadcast_in_dim3A_90 = arith.constant 1 : i32
      %broadcast_in_dim3A_91 = vector.broadcast %broadcast_in_dim3A_90 : i32 to vector<16xi32>
      %lt3A_92 = arith.constant 0 : i32
      %lt3A_93 = vector.broadcast %lt3A_92 : i32 to vector<16xi32>
      %lt3A_94 = arith.cmpi slt, %broadcast_in_dim3A_91, %lt3A_93 : vector<16xi32>
      %add3A_95 = arith.constant 16 : i32
      %add3A_96 = vector.broadcast %add3A_95 : i32 to vector<16xi32>
      %add3A_97 = arith.addi %broadcast_in_dim3A_91, %add3A_96 : vector<16xi32>
      %select_n3A_98 = arith.select %lt3A_94, %add3A_97, %broadcast_in_dim3A_91 : vector<16xi1>, vector<16xi32>
      %broadcast_in_dim3A_99 = vector.shape_cast %select_n3A_98 : vector<16xi32> to vector<16x1xi32>
      %gather3A_100 = vector.shape_cast %broadcast_in_dim3A_99 : vector<16x1xi32> to vector<16xi32>
      %gather3A_101 = tpu.dynamic_gather %convert_element_type3A_81[%gather3A_100] in [0] : vector<16xf32>, vector<16xi32> -> vector<16xf32>
      %broadcast_in_dim3A_102 = arith.constant 2 : i32
      %broadcast_in_dim3A_103 = vector.broadcast %broadcast_in_dim3A_102 : i32 to vector<16xi32>
      %lt3A_104 = arith.constant 0 : i32
      %lt3A_105 = vector.broadcast %lt3A_104 : i32 to vector<16xi32>
      %lt3A_106 = arith.cmpi slt, %broadcast_in_dim3A_103, %lt3A_105 : vector<16xi32>
      %add3A_107 = arith.constant 16 : i32
      %add3A_108 = vector.broadcast %add3A_107 : i32 to vector<16xi32>
      %add3A_109 = arith.addi %broadcast_in_dim3A_103, %add3A_108 : vector<16xi32>
      %select_n3A_110 = arith.select %lt3A_106, %add3A_109, %broadcast_in_dim3A_103 : vector<16xi1>, vector<16xi32>
      %broadcast_in_dim3A_111 = vector.shape_cast %select_n3A_110 : vector<16xi32> to vector<16x1xi32>
      %gather3A_112 = vector.shape_cast %broadcast_in_dim3A_111 : vector<16x1xi32> to vector<16xi32>
      %gather3A_113 = tpu.dynamic_gather %convert_element_type3A_81[%gather3A_112] in [0] : vector<16xf32>, vector<16xi32> -> vector<16xf32>
      %broadcast_in_dim3A_114 = arith.constant 3 : i32
      %broadcast_in_dim3A_115 = vector.broadcast %broadcast_in_dim3A_114 : i32 to vector<16xi32>
      %lt3A_116 = arith.constant 0 : i32
      %lt3A_117 = vector.broadcast %lt3A_116 : i32 to vector<16xi32>
      %lt3A_118 = arith.cmpi slt, %broadcast_in_dim3A_115, %lt3A_117 : vector<16xi32>
      %add3A_119 = arith.constant 16 : i32
      %add3A_120 = vector.broadcast %add3A_119 : i32 to vector<16xi32>
      %add3A_121 = arith.addi %broadcast_in_dim3A_115, %add3A_120 : vector<16xi32>
      %select_n3A_122 = arith.select %lt3A_118, %add3A_121, %broadcast_in_dim3A_115 : vector<16xi1>, vector<16xi32>
      %broadcast_in_dim3A_123 = vector.shape_cast %select_n3A_122 : vector<16xi32> to vector<16x1xi32>
      %gather3A_124 = vector.shape_cast %broadcast_in_dim3A_123 : vector<16x1xi32> to vector<16xi32>
      %gather3A_125 = tpu.dynamic_gather %convert_element_type3A_81[%gather3A_124] in [0] : vector<16xf32>, vector<16xi32> -> vector<16xf32>
      %broadcast_in_dim3A_126 = arith.constant 4 : i32
      %broadcast_in_dim3A_127 = vector.broadcast %broadcast_in_dim3A_126 : i32 to vector<16xi32>
      %lt3A_128 = arith.constant 0 : i32
      %lt3A_129 = vector.broadcast %lt3A_128 : i32 to vector<16xi32>
      %lt3A_130 = arith.cmpi slt, %broadcast_in_dim3A_127, %lt3A_129 : vector<16xi32>
      %add3A_131 = arith.constant 16 : i32
      %add3A_132 = vector.broadcast %add3A_131 : i32 to vector<16xi32>
      %add3A_133 = arith.addi %broadcast_in_dim3A_127, %add3A_132 : vector<16xi32>
      %select_n3A_134 = arith.select %lt3A_130, %add3A_133, %broadcast_in_dim3A_127 : vector<16xi1>, vector<16xi32>
      %broadcast_in_dim3A_135 = vector.shape_cast %select_n3A_134 : vector<16xi32> to vector<16x1xi32>
      %gather3A_136 = vector.shape_cast %broadcast_in_dim3A_135 : vector<16x1xi32> to vector<16xi32>
      %gather3A_137 = tpu.dynamic_gather %convert_element_type3A_81[%gather3A_136] in [0] : vector<16xf32>, vector<16xi32> -> vector<16xf32>
      %broadcast_in_dim3A_138 = arith.constant 5 : i32
      %broadcast_in_dim3A_139 = vector.broadcast %broadcast_in_dim3A_138 : i32 to vector<16xi32>
      %lt3A_140 = arith.constant 0 : i32
      %lt3A_141 = vector.broadcast %lt3A_140 : i32 to vector<16xi32>
      %lt3A_142 = arith.cmpi slt, %broadcast_in_dim3A_139, %lt3A_141 : vector<16xi32>
      %add3A_143 = arith.constant 16 : i32
      %add3A_144 = vector.broadcast %add3A_143 : i32 to vector<16xi32>
      %add3A_145 = arith.addi %broadcast_in_dim3A_139, %add3A_144 : vector<16xi32>
      %select_n3A_146 = arith.select %lt3A_142, %add3A_145, %broadcast_in_dim3A_139 : vector<16xi1>, vector<16xi32>
      %broadcast_in_dim3A_147 = vector.shape_cast %select_n3A_146 : vector<16xi32> to vector<16x1xi32>
      %gather3A_148 = vector.shape_cast %broadcast_in_dim3A_147 : vector<16x1xi32> to vector<16xi32>
      %gather3A_149 = tpu.dynamic_gather %convert_element_type3A_81[%gather3A_148] in [0] : vector<16xf32>, vector<16xi32> -> vector<16xf32>
      %broadcast_in_dim3A_150 = arith.constant 6 : i32
      %broadcast_in_dim3A_151 = vector.broadcast %broadcast_in_dim3A_150 : i32 to vector<16xi32>
      %lt3A_152 = arith.constant 0 : i32
      %lt3A_153 = vector.broadcast %lt3A_152 : i32 to vector<16xi32>
      %lt3A_154 = arith.cmpi slt, %broadcast_in_dim3A_151, %lt3A_153 : vector<16xi32>
      %add3A_155 = arith.constant 16 : i32
      %add3A_156 = vector.broadcast %add3A_155 : i32 to vector<16xi32>
      %add3A_157 = arith.addi %broadcast_in_dim3A_151, %add3A_156 : vector<16xi32>
      %select_n3A_158 = arith.select %lt3A_154, %add3A_157, %broadcast_in_dim3A_151 : vector<16xi1>, vector<16xi32>
      %broadcast_in_dim3A_159 = vector.shape_cast %select_n3A_158 : vector<16xi32> to vector<16x1xi32>
      %gather3A_160 = vector.shape_cast %broadcast_in_dim3A_159 : vector<16x1xi32> to vector<16xi32>
      %gather3A_161 = tpu.dynamic_gather %convert_element_type3A_81[%gather3A_160] in [0] : vector<16xf32>, vector<16xi32> -> vector<16xf32>
      %broadcast_in_dim3A_162 = arith.constant 7 : i32
      %broadcast_in_dim3A_163 = vector.broadcast %broadcast_in_dim3A_162 : i32 to vector<16xi32>
      %lt3A_164 = arith.constant 0 : i32
      %lt3A_165 = vector.broadcast %lt3A_164 : i32 to vector<16xi32>
      %lt3A_166 = arith.cmpi slt, %broadcast_in_dim3A_163, %lt3A_165 : vector<16xi32>
      %add3A_167 = arith.constant 16 : i32
      %add3A_168 = vector.broadcast %add3A_167 : i32 to vector<16xi32>
      %add3A_169 = arith.addi %broadcast_in_dim3A_163, %add3A_168 : vector<16xi32>
      %select_n3A_170 = arith.select %lt3A_166, %add3A_169, %broadcast_in_dim3A_163 : vector<16xi1>, vector<16xi32>
      %broadcast_in_dim3A_171 = vector.shape_cast %select_n3A_170 : vector<16xi32> to vector<16x1xi32>
      %gather3A_172 = vector.shape_cast %broadcast_in_dim3A_171 : vector<16x1xi32> to vector<16xi32>
      %gather3A_173 = tpu.dynamic_gather %convert_element_type3A_81[%gather3A_172] in [0] : vector<16xf32>, vector<16xi32> -> vector<16xf32>
      %broadcast_in_dim3A_174 = arith.constant 8 : i32
      %broadcast_in_dim3A_175 = vector.broadcast %broadcast_in_dim3A_174 : i32 to vector<16xi32>
      %lt3A_176 = arith.constant 0 : i32
      %lt3A_177 = vector.broadcast %lt3A_176 : i32 to vector<16xi32>
      %lt3A_178 = arith.cmpi slt, %broadcast_in_dim3A_175, %lt3A_177 : vector<16xi32>
      %add3A_179 = arith.constant 16 : i32
      %add3A_180 = vector.broadcast %add3A_179 : i32 to vector<16xi32>
      %add3A_181 = arith.addi %broadcast_in_dim3A_175, %add3A_180 : vector<16xi32>
      %select_n3A_182 = arith.select %lt3A_178, %add3A_181, %broadcast_in_dim3A_175 : vector<16xi1>, vector<16xi32>
      %broadcast_in_dim3A_183 = vector.shape_cast %select_n3A_182 : vector<16xi32> to vector<16x1xi32>
      %gather3A_184 = vector.shape_cast %broadcast_in_dim3A_183 : vector<16x1xi32> to vector<16xi32>
      %gather3A_185 = tpu.dynamic_gather %convert_element_type3A_81[%gather3A_184] in [0] : vector<16xf32>, vector<16xi32> -> vector<16xf32>
      %broadcast_in_dim3A_186 = arith.constant 9 : i32
      %broadcast_in_dim3A_187 = vector.broadcast %broadcast_in_dim3A_186 : i32 to vector<16xi32>
      %lt3A_188 = arith.constant 0 : i32
      %lt3A_189 = vector.broadcast %lt3A_188 : i32 to vector<16xi32>
      %lt3A_190 = arith.cmpi slt, %broadcast_in_dim3A_187, %lt3A_189 : vector<16xi32>
      %add3A_191 = arith.constant 16 : i32
      %add3A_192 = vector.broadcast %add3A_191 : i32 to vector<16xi32>
      %add3A_193 = arith.addi %broadcast_in_dim3A_187, %add3A_192 : vector<16xi32>
      %select_n3A_194 = arith.select %lt3A_190, %add3A_193, %broadcast_in_dim3A_187 : vector<16xi1>, vector<16xi32>
      %broadcast_in_dim3A_195 = vector.shape_cast %select_n3A_194 : vector<16xi32> to vector<16x1xi32>
      %gather3A_196 = vector.shape_cast %broadcast_in_dim3A_195 : vector<16x1xi32> to vector<16xi32>
      %gather3A_197 = tpu.dynamic_gather %convert_element_type3A_81[%gather3A_196] in [0] : vector<16xf32>, vector<16xi32> -> vector<16xf32>
      %broadcast_in_dim3A_198 = arith.constant 10 : i32
      %broadcast_in_dim3A_199 = vector.broadcast %broadcast_in_dim3A_198 : i32 to vector<16xi32>
      %lt3A_200 = arith.constant 0 : i32
      %lt3A_201 = vector.broadcast %lt3A_200 : i32 to vector<16xi32>
      %lt3A_202 = arith.cmpi slt, %broadcast_in_dim3A_199, %lt3A_201 : vector<16xi32>
      %add3A_203 = arith.constant 16 : i32
      %add3A_204 = vector.broadcast %add3A_203 : i32 to vector<16xi32>
      %add3A_205 = arith.addi %broadcast_in_dim3A_199, %add3A_204 : vector<16xi32>
      %select_n3A_206 = arith.select %lt3A_202, %add3A_205, %broadcast_in_dim3A_199 : vector<16xi1>, vector<16xi32>
      %broadcast_in_dim3A_207 = vector.shape_cast %select_n3A_206 : vector<16xi32> to vector<16x1xi32>
      %gather3A_208 = vector.shape_cast %broadcast_in_dim3A_207 : vector<16x1xi32> to vector<16xi32>
      %gather3A_209 = tpu.dynamic_gather %convert_element_type3A_81[%gather3A_208] in [0] : vector<16xf32>, vector<16xi32> -> vector<16xf32>
      %broadcast_in_dim3A_210 = arith.constant 11 : i32
      %broadcast_in_dim3A_211 = vector.broadcast %broadcast_in_dim3A_210 : i32 to vector<16xi32>
      %lt3A_212 = arith.constant 0 : i32
      %lt3A_213 = vector.broadcast %lt3A_212 : i32 to vector<16xi32>
      %lt3A_214 = arith.cmpi slt, %broadcast_in_dim3A_211, %lt3A_213 : vector<16xi32>
      %add3A_215 = arith.constant 16 : i32
      %add3A_216 = vector.broadcast %add3A_215 : i32 to vector<16xi32>
      %add3A_217 = arith.addi %broadcast_in_dim3A_211, %add3A_216 : vector<16xi32>
      %select_n3A_218 = arith.select %lt3A_214, %add3A_217, %broadcast_in_dim3A_211 : vector<16xi1>, vector<16xi32>
      %broadcast_in_dim3A_219 = vector.shape_cast %select_n3A_218 : vector<16xi32> to vector<16x1xi32>
      %gather3A_220 = vector.shape_cast %broadcast_in_dim3A_219 : vector<16x1xi32> to vector<16xi32>
      %gather3A_221 = tpu.dynamic_gather %convert_element_type3A_81[%gather3A_220] in [0] : vector<16xf32>, vector<16xi32> -> vector<16xf32>
      %broadcast_in_dim3A_222 = arith.constant 12 : i32
      %broadcast_in_dim3A_223 = vector.broadcast %broadcast_in_dim3A_222 : i32 to vector<16xi32>
      %lt3A_224 = arith.constant 0 : i32
      %lt3A_225 = vector.broadcast %lt3A_224 : i32 to vector<16xi32>
      %lt3A_226 = arith.cmpi slt, %broadcast_in_dim3A_223, %lt3A_225 : vector<16xi32>
      %add3A_227 = arith.constant 16 : i32
      %add3A_228 = vector.broadcast %add3A_227 : i32 to vector<16xi32>
      %add3A_229 = arith.addi %broadcast_in_dim3A_223, %add3A_228 : vector<16xi32>
      %select_n3A_230 = arith.select %lt3A_226, %add3A_229, %broadcast_in_dim3A_223 : vector<16xi1>, vector<16xi32>
      %broadcast_in_dim3A_231 = vector.shape_cast %select_n3A_230 : vector<16xi32> to vector<16x1xi32>
      %gather3A_232 = vector.shape_cast %broadcast_in_dim3A_231 : vector<16x1xi32> to vector<16xi32>
      %gather3A_233 = tpu.dynamic_gather %convert_element_type3A_81[%gather3A_232] in [0] : vector<16xf32>, vector<16xi32> -> vector<16xf32>
      %broadcast_in_dim3A_234 = arith.constant 13 : i32
      %broadcast_in_dim3A_235 = vector.broadcast %broadcast_in_dim3A_234 : i32 to vector<16xi32>
      %lt3A_236 = arith.constant 0 : i32
      %lt3A_237 = vector.broadcast %lt3A_236 : i32 to vector<16xi32>
      %lt3A_238 = arith.cmpi slt, %broadcast_in_dim3A_235, %lt3A_237 : vector<16xi32>
      %add3A_239 = arith.constant 16 : i32
      %add3A_240 = vector.broadcast %add3A_239 : i32 to vector<16xi32>
      %add3A_241 = arith.addi %broadcast_in_dim3A_235, %add3A_240 : vector<16xi32>
      %select_n3A_242 = arith.select %lt3A_238, %add3A_241, %broadcast_in_dim3A_235 : vector<16xi1>, vector<16xi32>
      %broadcast_in_dim3A_243 = vector.shape_cast %select_n3A_242 : vector<16xi32> to vector<16x1xi32>
      %gather3A_244 = vector.shape_cast %broadcast_in_dim3A_243 : vector<16x1xi32> to vector<16xi32>
      %gather3A_245 = tpu.dynamic_gather %convert_element_type3A_81[%gather3A_244] in [0] : vector<16xf32>, vector<16xi32> -> vector<16xf32>
      %broadcast_in_dim3A_246 = arith.constant 14 : i32
      %broadcast_in_dim3A_247 = vector.broadcast %broadcast_in_dim3A_246 : i32 to vector<16xi32>
      %lt3A_248 = arith.constant 0 : i32
      %lt3A_249 = vector.broadcast %lt3A_248 : i32 to vector<16xi32>
      %lt3A_250 = arith.cmpi slt, %broadcast_in_dim3A_247, %lt3A_249 : vector<16xi32>
      %add3A_251 = arith.constant 16 : i32
      %add3A_252 = vector.broadcast %add3A_251 : i32 to vector<16xi32>
      %add3A_253 = arith.addi %broadcast_in_dim3A_247, %add3A_252 : vector<16xi32>
      %select_n3A_254 = arith.select %lt3A_250, %add3A_253, %broadcast_in_dim3A_247 : vector<16xi1>, vector<16xi32>
      %broadcast_in_dim3A_255 = vector.shape_cast %select_n3A_254 : vector<16xi32> to vector<16x1xi32>
      %gather3A_256 = vector.shape_cast %broadcast_in_dim3A_255 : vector<16x1xi32> to vector<16xi32>
      %gather3A_257 = tpu.dynamic_gather %convert_element_type3A_81[%gather3A_256] in [0] : vector<16xf32>, vector<16xi32> -> vector<16xf32>
      %broadcast_in_dim3A_258 = arith.constant 15 : i32
      %broadcast_in_dim3A_259 = vector.broadcast %broadcast_in_dim3A_258 : i32 to vector<16xi32>
      %lt3A_260 = arith.constant 0 : i32
      %lt3A_261 = vector.broadcast %lt3A_260 : i32 to vector<16xi32>
      %lt3A_262 = arith.cmpi slt, %broadcast_in_dim3A_259, %lt3A_261 : vector<16xi32>
      %add3A_263 = arith.constant 16 : i32
      %add3A_264 = vector.broadcast %add3A_263 : i32 to vector<16xi32>
      %add3A_265 = arith.addi %broadcast_in_dim3A_259, %add3A_264 : vector<16xi32>
      %select_n3A_266 = arith.select %lt3A_262, %add3A_265, %broadcast_in_dim3A_259 : vector<16xi1>, vector<16xi32>
      %broadcast_in_dim3A_267 = vector.shape_cast %select_n3A_266 : vector<16xi32> to vector<16x1xi32>
      %gather3A_268 = vector.shape_cast %broadcast_in_dim3A_267 : vector<16x1xi32> to vector<16xi32>
      %gather3A_269 = tpu.dynamic_gather %convert_element_type3A_81[%gather3A_268] in [0] : vector<16xf32>, vector<16xi32> -> vector<16xf32>
      %sub3A = arith.constant 1.000000e+00 : f32
      %sub3A_270 = vector.broadcast %sub3A : f32 to vector<16xf32>
      %sub3A_271 = arith.subf %sub3A_270, %gather3A_89 : vector<16xf32>
      %sub3A_272 = arith.constant 1.000000e+00 : f32
      %sub3A_273 = vector.broadcast %sub3A_272 : f32 to vector<16xf32>
      %sub3A_274 = arith.subf %sub3A_273, %gather3A_101 : vector<16xf32>
      %sub3A_275 = arith.constant 1.000000e+00 : f32
      %sub3A_276 = vector.broadcast %sub3A_275 : f32 to vector<16xf32>
      %sub3A_277 = arith.subf %sub3A_276, %gather3A_113 : vector<16xf32>
      %sub3A_278 = arith.constant 1.000000e+00 : f32
      %sub3A_279 = vector.broadcast %sub3A_278 : f32 to vector<16xf32>
      %sub3A_280 = arith.subf %sub3A_279, %gather3A_125 : vector<16xf32>
      %sub3A_281 = arith.constant 1.000000e+00 : f32
      %sub3A_282 = vector.broadcast %sub3A_281 : f32 to vector<16xf32>
      %sub3A_283 = arith.subf %sub3A_282, %gather3A_137 : vector<16xf32>
      %sub3A_284 = arith.constant 1.000000e+00 : f32
      %sub3A_285 = vector.broadcast %sub3A_284 : f32 to vector<16xf32>
      %sub3A_286 = arith.subf %sub3A_285, %gather3A_149 : vector<16xf32>
      %sub3A_287 = arith.constant 1.000000e+00 : f32
      %sub3A_288 = vector.broadcast %sub3A_287 : f32 to vector<16xf32>
      %sub3A_289 = arith.subf %sub3A_288, %gather3A_161 : vector<16xf32>
      %sub3A_290 = arith.constant 1.000000e+00 : f32
      %sub3A_291 = vector.broadcast %sub3A_290 : f32 to vector<16xf32>
      %sub3A_292 = arith.subf %sub3A_291, %gather3A_173 : vector<16xf32>
      %sub3A_293 = arith.constant 1.000000e+00 : f32
      %sub3A_294 = vector.broadcast %sub3A_293 : f32 to vector<16xf32>
      %sub3A_295 = arith.subf %sub3A_294, %gather3A_185 : vector<16xf32>
      %sub3A_296 = arith.constant 1.000000e+00 : f32
      %sub3A_297 = vector.broadcast %sub3A_296 : f32 to vector<16xf32>
      %sub3A_298 = arith.subf %sub3A_297, %gather3A_197 : vector<16xf32>
      %sub3A_299 = arith.constant 1.000000e+00 : f32
      %sub3A_300 = vector.broadcast %sub3A_299 : f32 to vector<16xf32>
      %sub3A_301 = arith.subf %sub3A_300, %gather3A_209 : vector<16xf32>
      %sub3A_302 = arith.constant 1.000000e+00 : f32
      %sub3A_303 = vector.broadcast %sub3A_302 : f32 to vector<16xf32>
      %sub3A_304 = arith.subf %sub3A_303, %gather3A_221 : vector<16xf32>
      %sub3A_305 = arith.constant 1.000000e+00 : f32
      %sub3A_306 = vector.broadcast %sub3A_305 : f32 to vector<16xf32>
      %sub3A_307 = arith.subf %sub3A_306, %gather3A_233 : vector<16xf32>
      %sub3A_308 = arith.constant 1.000000e+00 : f32
      %sub3A_309 = vector.broadcast %sub3A_308 : f32 to vector<16xf32>
      %sub3A_310 = arith.subf %sub3A_309, %gather3A_245 : vector<16xf32>
      %sub3A_311 = arith.constant 1.000000e+00 : f32
      %sub3A_312 = vector.broadcast %sub3A_311 : f32 to vector<16xf32>
      %sub3A_313 = arith.subf %sub3A_312, %gather3A_257 : vector<16xf32>
      %sub3A_314 = arith.constant 1.000000e+00 : f32
      %sub3A_315 = vector.broadcast %sub3A_314 : f32 to vector<16xf32>
      %sub3A_316 = arith.subf %sub3A_315, %gather3A_269 : vector<16xf32>
      %parallel_loop3A = arith.constant 0 : i32
      %parallel_loop3A_317 = arith.constant 32 : i32
      %parallel_loop3A_318 = arith.constant 1 : i32
      scf.for %parallel_loop3A_581 = %parallel_loop3A to %parallel_loop3A_317 step %parallel_loop3A_318  : i32 {
        %parallel_loop3A_582 = arith.constant 16 : i32
        %parallel_loop3A_583 = arith.muli %parallel_loop3A_581, %parallel_loop3A_582 : i32
        %parallel_loop3A_584 = arith.constant 0 : i32
        %parallel_loop3A_585 = arith.index_cast %parallel_loop3A_584 : i32 to index
        %parallel_loop3A_586 = arith.index_cast %parallel_loop3A_583 : i32 to index
        %parallel_loop3A_587 = tpu.vector_load %arg6[%parallel_loop3A_585, %parallel_loop3A_586] {strides = array<i32>} : memref<2x512xf32, #tpu.memory_space<vmem>>, vector<1x16xf32>,
        %parallel_loop3A_588 = vector.shape_cast %parallel_loop3A_587 : vector<1x16xf32> to vector<16xf32>
        %parallel_loop3A_589 = arith.constant 16 : i32
        %parallel_loop3A_590 = arith.muli %parallel_loop3A_581, %parallel_loop3A_589 : i32
        %parallel_loop3A_591 = arith.constant 1 : i32
        %parallel_loop3A_592 = arith.index_cast %parallel_loop3A_591 : i32 to index
        %parallel_loop3A_593 = arith.index_cast %parallel_loop3A_590 : i32 to index
        %parallel_loop3A_594 = tpu.vector_load %arg6[%parallel_loop3A_592, %parallel_loop3A_593] {strides = array<i32>} : memref<2x512xf32, #tpu.memory_space<vmem>>, vector<1x16xf32>,
        %parallel_loop3A_595 = vector.shape_cast %parallel_loop3A_594 : vector<1x16xf32> to vector<16xf32>
        %parallel_loop3A_596 = arith.mulf %gather3A_89, %parallel_loop3A_595 : vector<16xf32>
        %parallel_loop3A_597 = arith.mulf %sub3A_271, %parallel_loop3A_588 : vector<16xf32>
        %parallel_loop3A_598 = arith.addf %parallel_loop3A_596, %parallel_loop3A_597 : vector<16xf32>
        %parallel_loop3A_599 = arith.constant 16 : i32
        %parallel_loop3A_600 = arith.muli %parallel_loop3A_581, %parallel_loop3A_599 : i32
        %parallel_loop3A_601 = arith.constant 0 : i32
        %parallel_loop3A_602 = arith.index_cast %rem3A_71 : i32 to index
        %parallel_loop3A_603 = arith.index_cast %parallel_loop3A_601 : i32 to index
        %parallel_loop3A_604 = arith.index_cast %parallel_loop3A_600 : i32 to index
        %parallel_loop3A_605 = tpu.vector_load %arg7[%parallel_loop3A_602, %parallel_loop3A_603, %parallel_loop3A_604] {strides = array<i32>} : memref<4x32x512xf32, #tpu.memory_space<vmem>>, vector<1x1x16xf32>,
        %parallel_loop3A_606 = vector.shape_cast %parallel_loop3A_605 : vector<1x1x16xf32> to vector<16xf32>
        %parallel_loop3A_607 = vector.shape_cast %parallel_loop3A_598 : vector<16xf32> to vector<1x1x16xf32>
        tpu.vector_store %arg7[%parallel_loop3A_602, %parallel_loop3A_603, %parallel_loop3A_604], %parallel_loop3A_607 {strides = array<i32>} : memref<4x32x512xf32, #tpu.memory_space<vmem>>, vector<1x1x16xf32>,
        %parallel_loop3A_608 = arith.mulf %gather3A_101, %parallel_loop3A_595 : vector<16xf32>
        %parallel_loop3A_609 = arith.mulf %sub3A_274, %parallel_loop3A_588 : vector<16xf32>
        %parallel_loop3A_610 = arith.addf %parallel_loop3A_608, %parallel_loop3A_609 : vector<16xf32>
        %parallel_loop3A_611 = arith.constant 16 : i32
        %parallel_loop3A_612 = arith.muli %parallel_loop3A_581, %parallel_loop3A_611 : i32
        %parallel_loop3A_613 = arith.constant 1 : i32
        %parallel_loop3A_614 = arith.index_cast %rem3A_71 : i32 to index
        %parallel_loop3A_615 = arith.index_cast %parallel_loop3A_613 : i32 to index
        %parallel_loop3A_616 = arith.index_cast %parallel_loop3A_612 : i32 to index
        %parallel_loop3A_617 = tpu.vector_load %arg7[%parallel_loop3A_614, %parallel_loop3A_615, %parallel_loop3A_616] {strides = array<i32>} : memref<4x32x512xf32, #tpu.memory_space<vmem>>, vector<1x1x16xf32>,
        %parallel_loop3A_618 = vector.shape_cast %parallel_loop3A_617 : vector<1x1x16xf32> to vector<16xf32>
        %parallel_loop3A_619 = vector.shape_cast %parallel_loop3A_610 : vector<16xf32> to vector<1x1x16xf32>
        tpu.vector_store %arg7[%parallel_loop3A_614, %parallel_loop3A_615, %parallel_loop3A_616], %parallel_loop3A_619 {strides = array<i32>} : memref<4x32x512xf32, #tpu.memory_space<vmem>>, vector<1x1x16xf32>,
        %parallel_loop3A_620 = arith.mulf %gather3A_113, %parallel_loop3A_595 : vector<16xf32>
        %parallel_loop3A_621 = arith.mulf %sub3A_277, %parallel_loop3A_588 : vector<16xf32>
        %parallel_loop3A_622 = arith.addf %parallel_loop3A_620, %parallel_loop3A_621 : vector<16xf32>
        %parallel_loop3A_623 = arith.constant 16 : i32
        %parallel_loop3A_624 = arith.muli %parallel_loop3A_581, %parallel_loop3A_623 : i32
        %parallel_loop3A_625 = arith.constant 2 : i32
        %parallel_loop3A_626 = arith.index_cast %rem3A_71 : i32 to index
        %parallel_loop3A_627 = arith.index_cast %parallel_loop3A_625 : i32 to index
        %parallel_loop3A_628 = arith.index_cast %parallel_loop3A_624 : i32 to index
        %parallel_loop3A_629 = tpu.vector_load %arg7[%parallel_loop3A_626, %parallel_loop3A_627, %parallel_loop3A_628] {strides = array<i32>} : memref<4x32x512xf32, #tpu.memory_space<vmem>>, vector<1x1x16xf32>,
        %parallel_loop3A_630 = vector.shape_cast %parallel_loop3A_629 : vector<1x1x16xf32> to vector<16xf32>
        %parallel_loop3A_631 = vector.shape_cast %parallel_loop3A_622 : vector<16xf32> to vector<1x1x16xf32>
        tpu.vector_store %arg7[%parallel_loop3A_626, %parallel_loop3A_627, %parallel_loop3A_628], %parallel_loop3A_631 {strides = array<i32>} : memref<4x32x512xf32, #tpu.memory_space<vmem>>, vector<1x1x16xf32>,
        %parallel_loop3A_632 = arith.mulf %gather3A_125, %parallel_loop3A_595 : vector<16xf32>
        %parallel_loop3A_633 = arith.mulf %sub3A_280, %parallel_loop3A_588 : vector<16xf32>
        %parallel_loop3A_634 = arith.addf %parallel_loop3A_632, %parallel_loop3A_633 : vector<16xf32>
        %parallel_loop3A_635 = arith.constant 16 : i32
        %parallel_loop3A_636 = arith.muli %parallel_loop3A_581, %parallel_loop3A_635 : i32
        %parallel_loop3A_637 = arith.constant 3 : i32
        %parallel_loop3A_638 = arith.index_cast %rem3A_71 : i32 to index
        %parallel_loop3A_639 = arith.index_cast %parallel_loop3A_637 : i32 to index
        %parallel_loop3A_640 = arith.index_cast %parallel_loop3A_636 : i32 to index
        %parallel_loop3A_641 = tpu.vector_load %arg7[%parallel_loop3A_638, %parallel_loop3A_639, %parallel_loop3A_640] {strides = array<i32>} : memref<4x32x512xf32, #tpu.memory_space<vmem>>, vector<1x1x16xf32>,
        %parallel_loop3A_642 = vector.shape_cast %parallel_loop3A_641 : vector<1x1x16xf32> to vector<16xf32>
        %parallel_loop3A_643 = vector.shape_cast %parallel_loop3A_634 : vector<16xf32> to vector<1x1x16xf32>
        tpu.vector_store %arg7[%parallel_loop3A_638, %parallel_loop3A_639, %parallel_loop3A_640], %parallel_loop3A_643 {strides = array<i32>} : memref<4x32x512xf32, #tpu.memory_space<vmem>>, vector<1x1x16xf32>,
        %parallel_loop3A_644 = arith.mulf %gather3A_137, %parallel_loop3A_595 : vector<16xf32>
        %parallel_loop3A_645 = arith.mulf %sub3A_283, %parallel_loop3A_588 : vector<16xf32>
        %parallel_loop3A_646 = arith.addf %parallel_loop3A_644, %parallel_loop3A_645 : vector<16xf32>
        %parallel_loop3A_647 = arith.constant 16 : i32
        %parallel_loop3A_648 = arith.muli %parallel_loop3A_581, %parallel_loop3A_647 : i32
        %parallel_loop3A_649 = arith.constant 4 : i32
        %parallel_loop3A_650 = arith.index_cast %rem3A_71 : i32 to index
        %parallel_loop3A_651 = arith.index_cast %parallel_loop3A_649 : i32 to index
        %parallel_loop3A_652 = arith.index_cast %parallel_loop3A_648 : i32 to index
        %parallel_loop3A_653 = tpu.vector_load %arg7[%parallel_loop3A_650, %parallel_loop3A_651, %parallel_loop3A_652] {strides = array<i32>} : memref<4x32x512xf32, #tpu.memory_space<vmem>>, vector<1x1x16xf32>,
        %parallel_loop3A_654 = vector.shape_cast %parallel_loop3A_653 : vector<1x1x16xf32> to vector<16xf32>
        %parallel_loop3A_655 = vector.shape_cast %parallel_loop3A_646 : vector<16xf32> to vector<1x1x16xf32>
        tpu.vector_store %arg7[%parallel_loop3A_650, %parallel_loop3A_651, %parallel_loop3A_652], %parallel_loop3A_655 {strides = array<i32>} : memref<4x32x512xf32, #tpu.memory_space<vmem>>, vector<1x1x16xf32>,
        %parallel_loop3A_656 = arith.mulf %gather3A_149, %parallel_loop3A_595 : vector<16xf32>
        %parallel_loop3A_657 = arith.mulf %sub3A_286, %parallel_loop3A_588 : vector<16xf32>
        %parallel_loop3A_658 = arith.addf %parallel_loop3A_656, %parallel_loop3A_657 : vector<16xf32>
        %parallel_loop3A_659 = arith.constant 16 : i32
        %parallel_loop3A_660 = arith.muli %parallel_loop3A_581, %parallel_loop3A_659 : i32
        %parallel_loop3A_661 = arith.constant 5 : i32
        %parallel_loop3A_662 = arith.index_cast %rem3A_71 : i32 to index
        %parallel_loop3A_663 = arith.index_cast %parallel_loop3A_661 : i32 to index
        %parallel_loop3A_664 = arith.index_cast %parallel_loop3A_660 : i32 to index
        %parallel_loop3A_665 = tpu.vector_load %arg7[%parallel_loop3A_662, %parallel_loop3A_663, %parallel_loop3A_664] {strides = array<i32>} : memref<4x32x512xf32, #tpu.memory_space<vmem>>, vector<1x1x16xf32>,
        %parallel_loop3A_666 = vector.shape_cast %parallel_loop3A_665 : vector<1x1x16xf32> to vector<16xf32>
        %parallel_loop3A_667 = vector.shape_cast %parallel_loop3A_658 : vector<16xf32> to vector<1x1x16xf32>
        tpu.vector_store %arg7[%parallel_loop3A_662, %parallel_loop3A_663, %parallel_loop3A_664], %parallel_loop3A_667 {strides = array<i32>} : memref<4x32x512xf32, #tpu.memory_space<vmem>>, vector<1x1x16xf32>,
        %parallel_loop3A_668 = arith.mulf %gather3A_161, %parallel_loop3A_595 : vector<16xf32>
        %parallel_loop3A_669 = arith.mulf %sub3A_289, %parallel_loop3A_588 : vector<16xf32>
        %parallel_loop3A_670 = arith.addf %parallel_loop3A_668, %parallel_loop3A_669 : vector<16xf32>
        %parallel_loop3A_671 = arith.constant 16 : i32
        %parallel_loop3A_672 = arith.muli %parallel_loop3A_581, %parallel_loop3A_671 : i32
        %parallel_loop3A_673 = arith.constant 6 : i32
        %parallel_loop3A_674 = arith.index_cast %rem3A_71 : i32 to index
        %parallel_loop3A_675 = arith.index_cast %parallel_loop3A_673 : i32 to index
        %parallel_loop3A_676 = arith.index_cast %parallel_loop3A_672 : i32 to index
        %parallel_loop3A_677 = tpu.vector_load %arg7[%parallel_loop3A_674, %parallel_loop3A_675, %parallel_loop3A_676] {strides = array<i32>} : memref<4x32x512xf32, #tpu.memory_space<vmem>>, vector<1x1x16xf32>,
        %parallel_loop3A_678 = vector.shape_cast %parallel_loop3A_677 : vector<1x1x16xf32> to vector<16xf32>
        %parallel_loop3A_679 = vector.shape_cast %parallel_loop3A_670 : vector<16xf32> to vector<1x1x16xf32>
        tpu.vector_store %arg7[%parallel_loop3A_674, %parallel_loop3A_675, %parallel_loop3A_676], %parallel_loop3A_679 {strides = array<i32>} : memref<4x32x512xf32, #tpu.memory_space<vmem>>, vector<1x1x16xf32>,
        %parallel_loop3A_680 = arith.mulf %gather3A_173, %parallel_loop3A_595 : vector<16xf32>
        %parallel_loop3A_681 = arith.mulf %sub3A_292, %parallel_loop3A_588 : vector<16xf32>
        %parallel_loop3A_682 = arith.addf %parallel_loop3A_680, %parallel_loop3A_681 : vector<16xf32>
        %parallel_loop3A_683 = arith.constant 16 : i32
        %parallel_loop3A_684 = arith.muli %parallel_loop3A_581, %parallel_loop3A_683 : i32
        %parallel_loop3A_685 = arith.constant 7 : i32
        %parallel_loop3A_686 = arith.index_cast %rem3A_71 : i32 to index
        %parallel_loop3A_687 = arith.index_cast %parallel_loop3A_685 : i32 to index
        %parallel_loop3A_688 = arith.index_cast %parallel_loop3A_684 : i32 to index
        %parallel_loop3A_689 = tpu.vector_load %arg7[%parallel_loop3A_686, %parallel_loop3A_687, %parallel_loop3A_688] {strides = array<i32>} : memref<4x32x512xf32, #tpu.memory_space<vmem>>, vector<1x1x16xf32>,
        %parallel_loop3A_690 = vector.shape_cast %parallel_loop3A_689 : vector<1x1x16xf32> to vector<16xf32>
        %parallel_loop3A_691 = vector.shape_cast %parallel_loop3A_682 : vector<16xf32> to vector<1x1x16xf32>
        tpu.vector_store %arg7[%parallel_loop3A_686, %parallel_loop3A_687, %parallel_loop3A_688], %parallel_loop3A_691 {strides = array<i32>} : memref<4x32x512xf32, #tpu.memory_space<vmem>>, vector<1x1x16xf32>,
        %parallel_loop3A_692 = arith.mulf %gather3A_185, %parallel_loop3A_595 : vector<16xf32>
        %parallel_loop3A_693 = arith.mulf %sub3A_295, %parallel_loop3A_588 : vector<16xf32>
        %parallel_loop3A_694 = arith.addf %parallel_loop3A_692, %parallel_loop3A_693 : vector<16xf32>
        %parallel_loop3A_695 = arith.constant 16 : i32
        %parallel_loop3A_696 = arith.muli %parallel_loop3A_581, %parallel_loop3A_695 : i32
        %parallel_loop3A_697 = arith.constant 8 : i32
        %parallel_loop3A_698 = arith.index_cast %rem3A_71 : i32 to index
        %parallel_loop3A_699 = arith.index_cast %parallel_loop3A_697 : i32 to index
        %parallel_loop3A_700 = arith.index_cast %parallel_loop3A_696 : i32 to index
        %parallel_loop3A_701 = tpu.vector_load %arg7[%parallel_loop3A_698, %parallel_loop3A_699, %parallel_loop3A_700] {strides = array<i32>} : memref<4x32x512xf32, #tpu.memory_space<vmem>>, vector<1x1x16xf32>,
        %parallel_loop3A_702 = vector.shape_cast %parallel_loop3A_701 : vector<1x1x16xf32> to vector<16xf32>
        %parallel_loop3A_703 = vector.shape_cast %parallel_loop3A_694 : vector<16xf32> to vector<1x1x16xf32>
        tpu.vector_store %arg7[%parallel_loop3A_698, %parallel_loop3A_699, %parallel_loop3A_700], %parallel_loop3A_703 {strides = array<i32>} : memref<4x32x512xf32, #tpu.memory_space<vmem>>, vector<1x1x16xf32>,
        %parallel_loop3A_704 = arith.mulf %gather3A_197, %parallel_loop3A_595 : vector<16xf32>
        %parallel_loop3A_705 = arith.mulf %sub3A_298, %parallel_loop3A_588 : vector<16xf32>
        %parallel_loop3A_706 = arith.addf %parallel_loop3A_704, %parallel_loop3A_705 : vector<16xf32>
        %parallel_loop3A_707 = arith.constant 16 : i32
        %parallel_loop3A_708 = arith.muli %parallel_loop3A_581, %parallel_loop3A_707 : i32
        %parallel_loop3A_709 = arith.constant 9 : i32
        %parallel_loop3A_710 = arith.index_cast %rem3A_71 : i32 to index
        %parallel_loop3A_711 = arith.index_cast %parallel_loop3A_709 : i32 to index
        %parallel_loop3A_712 = arith.index_cast %parallel_loop3A_708 : i32 to index
        %parallel_loop3A_713 = tpu.vector_load %arg7[%parallel_loop3A_710, %parallel_loop3A_711, %parallel_loop3A_712] {strides = array<i32>} : memref<4x32x512xf32, #tpu.memory_space<vmem>>, vector<1x1x16xf32>,
        %parallel_loop3A_714 = vector.shape_cast %parallel_loop3A_713 : vector<1x1x16xf32> to vector<16xf32>
        %parallel_loop3A_715 = vector.shape_cast %parallel_loop3A_706 : vector<16xf32> to vector<1x1x16xf32>
        tpu.vector_store %arg7[%parallel_loop3A_710, %parallel_loop3A_711, %parallel_loop3A_712], %parallel_loop3A_715 {strides = array<i32>} : memref<4x32x512xf32, #tpu.memory_space<vmem>>, vector<1x1x16xf32>,
        %parallel_loop3A_716 = arith.mulf %gather3A_209, %parallel_loop3A_595 : vector<16xf32>
        %parallel_loop3A_717 = arith.mulf %sub3A_301, %parallel_loop3A_588 : vector<16xf32>
        %parallel_loop3A_718 = arith.addf %parallel_loop3A_716, %parallel_loop3A_717 : vector<16xf32>
        %parallel_loop3A_719 = arith.constant 16 : i32
        %parallel_loop3A_720 = arith.muli %parallel_loop3A_581, %parallel_loop3A_719 : i32
        %parallel_loop3A_721 = arith.constant 10 : i32
        %parallel_loop3A_722 = arith.index_cast %rem3A_71 : i32 to index
        %parallel_loop3A_723 = arith.index_cast %parallel_loop3A_721 : i32 to index
        %parallel_loop3A_724 = arith.index_cast %parallel_loop3A_720 : i32 to index
        %parallel_loop3A_725 = tpu.vector_load %arg7[%parallel_loop3A_722, %parallel_loop3A_723, %parallel_loop3A_724] {strides = array<i32>} : memref<4x32x512xf32, #tpu.memory_space<vmem>>, vector<1x1x16xf32>,
        %parallel_loop3A_726 = vector.shape_cast %parallel_loop3A_725 : vector<1x1x16xf32> to vector<16xf32>
        %parallel_loop3A_727 = vector.shape_cast %parallel_loop3A_718 : vector<16xf32> to vector<1x1x16xf32>
        tpu.vector_store %arg7[%parallel_loop3A_722, %parallel_loop3A_723, %parallel_loop3A_724], %parallel_loop3A_727 {strides = array<i32>} : memref<4x32x512xf32, #tpu.memory_space<vmem>>, vector<1x1x16xf32>,
        %parallel_loop3A_728 = arith.mulf %gather3A_221, %parallel_loop3A_595 : vector<16xf32>
        %parallel_loop3A_729 = arith.mulf %sub3A_304, %parallel_loop3A_588 : vector<16xf32>
        %parallel_loop3A_730 = arith.addf %parallel_loop3A_728, %parallel_loop3A_729 : vector<16xf32>
        %parallel_loop3A_731 = arith.constant 16 : i32
        %parallel_loop3A_732 = arith.muli %parallel_loop3A_581, %parallel_loop3A_731 : i32
        %parallel_loop3A_733 = arith.constant 11 : i32
        %parallel_loop3A_734 = arith.index_cast %rem3A_71 : i32 to index
        %parallel_loop3A_735 = arith.index_cast %parallel_loop3A_733 : i32 to index
        %parallel_loop3A_736 = arith.index_cast %parallel_loop3A_732 : i32 to index
        %parallel_loop3A_737 = tpu.vector_load %arg7[%parallel_loop3A_734, %parallel_loop3A_735, %parallel_loop3A_736] {strides = array<i32>} : memref<4x32x512xf32, #tpu.memory_space<vmem>>, vector<1x1x16xf32>,
        %parallel_loop3A_738 = vector.shape_cast %parallel_loop3A_737 : vector<1x1x16xf32> to vector<16xf32>
        %parallel_loop3A_739 = vector.shape_cast %parallel_loop3A_730 : vector<16xf32> to vector<1x1x16xf32>
        tpu.vector_store %arg7[%parallel_loop3A_734, %parallel_loop3A_735, %parallel_loop3A_736], %parallel_loop3A_739 {strides = array<i32>} : memref<4x32x512xf32, #tpu.memory_space<vmem>>, vector<1x1x16xf32>,
        %parallel_loop3A_740 = arith.mulf %gather3A_233, %parallel_loop3A_595 : vector<16xf32>
        %parallel_loop3A_741 = arith.mulf %sub3A_307, %parallel_loop3A_588 : vector<16xf32>
        %parallel_loop3A_742 = arith.addf %parallel_loop3A_740, %parallel_loop3A_741 : vector<16xf32>
        %parallel_loop3A_743 = arith.constant 16 : i32
        %parallel_loop3A_744 = arith.muli %parallel_loop3A_581, %parallel_loop3A_743 : i32
        %parallel_loop3A_745 = arith.constant 12 : i32
        %parallel_loop3A_746 = arith.index_cast %rem3A_71 : i32 to index
        %parallel_loop3A_747 = arith.index_cast %parallel_loop3A_745 : i32 to index
        %parallel_loop3A_748 = arith.index_cast %parallel_loop3A_744 : i32 to index
        %parallel_loop3A_749 = tpu.vector_load %arg7[%parallel_loop3A_746, %parallel_loop3A_747, %parallel_loop3A_748] {strides = array<i32>} : memref<4x32x512xf32, #tpu.memory_space<vmem>>, vector<1x1x16xf32>,
        %parallel_loop3A_750 = vector.shape_cast %parallel_loop3A_749 : vector<1x1x16xf32> to vector<16xf32>
        %parallel_loop3A_751 = vector.shape_cast %parallel_loop3A_742 : vector<16xf32> to vector<1x1x16xf32>
        tpu.vector_store %arg7[%parallel_loop3A_746, %parallel_loop3A_747, %parallel_loop3A_748], %parallel_loop3A_751 {strides = array<i32>} : memref<4x32x512xf32, #tpu.memory_space<vmem>>, vector<1x1x16xf32>,
        %parallel_loop3A_752 = arith.mulf %gather3A_245, %parallel_loop3A_595 : vector<16xf32>
        %parallel_loop3A_753 = arith.mulf %sub3A_310, %parallel_loop3A_588 : vector<16xf32>
        %parallel_loop3A_754 = arith.addf %parallel_loop3A_752, %parallel_loop3A_753 : vector<16xf32>
        %parallel_loop3A_755 = arith.constant 16 : i32
        %parallel_loop3A_756 = arith.muli %parallel_loop3A_581, %parallel_loop3A_755 : i32
        %parallel_loop3A_757 = arith.constant 13 : i32
        %parallel_loop3A_758 = arith.index_cast %rem3A_71 : i32 to index
        %parallel_loop3A_759 = arith.index_cast %parallel_loop3A_757 : i32 to index
        %parallel_loop3A_760 = arith.index_cast %parallel_loop3A_756 : i32 to index
        %parallel_loop3A_761 = tpu.vector_load %arg7[%parallel_loop3A_758, %parallel_loop3A_759, %parallel_loop3A_760] {strides = array<i32>} : memref<4x32x512xf32, #tpu.memory_space<vmem>>, vector<1x1x16xf32>,
        %parallel_loop3A_762 = vector.shape_cast %parallel_loop3A_761 : vector<1x1x16xf32> to vector<16xf32>
        %parallel_loop3A_763 = vector.shape_cast %parallel_loop3A_754 : vector<16xf32> to vector<1x1x16xf32>
        tpu.vector_store %arg7[%parallel_loop3A_758, %parallel_loop3A_759, %parallel_loop3A_760], %parallel_loop3A_763 {strides = array<i32>} : memref<4x32x512xf32, #tpu.memory_space<vmem>>, vector<1x1x16xf32>,
        %parallel_loop3A_764 = arith.mulf %gather3A_257, %parallel_loop3A_595 : vector<16xf32>
        %parallel_loop3A_765 = arith.mulf %sub3A_313, %parallel_loop3A_588 : vector<16xf32>
        %parallel_loop3A_766 = arith.addf %parallel_loop3A_764, %parallel_loop3A_765 : vector<16xf32>
        %parallel_loop3A_767 = arith.constant 16 : i32
        %parallel_loop3A_768 = arith.muli %parallel_loop3A_581, %parallel_loop3A_767 : i32
        %parallel_loop3A_769 = arith.constant 14 : i32
        %parallel_loop3A_770 = arith.index_cast %rem3A_71 : i32 to index
        %parallel_loop3A_771 = arith.index_cast %parallel_loop3A_769 : i32 to index
        %parallel_loop3A_772 = arith.index_cast %parallel_loop3A_768 : i32 to index
        %parallel_loop3A_773 = tpu.vector_load %arg7[%parallel_loop3A_770, %parallel_loop3A_771, %parallel_loop3A_772] {strides = array<i32>} : memref<4x32x512xf32, #tpu.memory_space<vmem>>, vector<1x1x16xf32>,
        %parallel_loop3A_774 = vector.shape_cast %parallel_loop3A_773 : vector<1x1x16xf32> to vector<16xf32>
        %parallel_loop3A_775 = vector.shape_cast %parallel_loop3A_766 : vector<16xf32> to vector<1x1x16xf32>
        tpu.vector_store %arg7[%parallel_loop3A_770, %parallel_loop3A_771, %parallel_loop3A_772], %parallel_loop3A_775 {strides = array<i32>} : memref<4x32x512xf32, #tpu.memory_space<vmem>>, vector<1x1x16xf32>,
        %parallel_loop3A_776 = arith.mulf %gather3A_269, %parallel_loop3A_595 : vector<16xf32>
        %parallel_loop3A_777 = arith.mulf %sub3A_316, %parallel_loop3A_588 : vector<16xf32>
        %parallel_loop3A_778 = arith.addf %parallel_loop3A_776, %parallel_loop3A_777 : vector<16xf32>
        %parallel_loop3A_779 = arith.constant 16 : i32
        %parallel_loop3A_780 = arith.muli %parallel_loop3A_581, %parallel_loop3A_779 : i32
        %parallel_loop3A_781 = arith.constant 15 : i32
        %parallel_loop3A_782 = arith.index_cast %rem3A_71 : i32 to index
        %parallel_loop3A_783 = arith.index_cast %parallel_loop3A_781 : i32 to index
        %parallel_loop3A_784 = arith.index_cast %parallel_loop3A_780 : i32 to index
        %parallel_loop3A_785 = tpu.vector_load %arg7[%parallel_loop3A_782, %parallel_loop3A_783, %parallel_loop3A_784] {strides = array<i32>} : memref<4x32x512xf32, #tpu.memory_space<vmem>>, vector<1x1x16xf32>,
        %parallel_loop3A_786 = vector.shape_cast %parallel_loop3A_785 : vector<1x1x16xf32> to vector<16xf32>
        %parallel_loop3A_787 = vector.shape_cast %parallel_loop3A_778 : vector<16xf32> to vector<1x1x16xf32>
        tpu.vector_store %arg7[%parallel_loop3A_782, %parallel_loop3A_783, %parallel_loop3A_784], %parallel_loop3A_787 {strides = array<i32>} : memref<4x32x512xf32, #tpu.memory_space<vmem>>, vector<1x1x16xf32>,
      } {sc.loop_unroll_factor = 2 : i64, sc.parallel_access}
      %add3A_319 = arith.constant 16 : i32
      %add3A_320 = arith.addi %mul3A_73, %add3A_319 : i32
      %get3A_321 = arith.index_cast %add3A_320 : i32 to index
      %get3A_322 = tpu.vector_load %arg5[%get3A_321] {strides = array<i32>} : memref<512xi32, #tpu.memory_space<vmem>>, vector<16xi32>,
      %get3A_323 = vector.shape_cast %get3A_322 : vector<16xi32> to vector<16xi32>
      %convert_element_type3A_324 = arith.sitofp %get3A_323 : vector<16xi32> to vector<16xf32>
      %broadcast_in_dim3A_325 = arith.constant 0 : i32
      %broadcast_in_dim3A_326 = vector.broadcast %broadcast_in_dim3A_325 : i32 to vector<16xi32>
      %lt3A_327 = arith.constant 0 : i32
      %lt3A_328 = vector.broadcast %lt3A_327 : i32 to vector<16xi32>
      %lt3A_329 = arith.cmpi slt, %broadcast_in_dim3A_326, %lt3A_328 : vector<16xi32>
      %add3A_330 = arith.constant 16 : i32
      %add3A_331 = vector.broadcast %add3A_330 : i32 to vector<16xi32>
      %add3A_332 = arith.addi %broadcast_in_dim3A_326, %add3A_331 : vector<16xi32>
      %select_n3A_333 = arith.select %lt3A_329, %add3A_332, %broadcast_in_dim3A_326 : vector<16xi1>, vector<16xi32>
      %broadcast_in_dim3A_334 = vector.shape_cast %select_n3A_333 : vector<16xi32> to vector<16x1xi32>
      %gather3A_335 = vector.shape_cast %broadcast_in_dim3A_334 : vector<16x1xi32> to vector<16xi32>
      %gather3A_336 = tpu.dynamic_gather %convert_element_type3A_324[%gather3A_335] in [0] : vector<16xf32>, vector<16xi32> -> vector<16xf32>
      %broadcast_in_dim3A_337 = arith.constant 1 : i32
      %broadcast_in_dim3A_338 = vector.broadcast %broadcast_in_dim3A_337 : i32 to vector<16xi32>
      %lt3A_339 = arith.constant 0 : i32
      %lt3A_340 = vector.broadcast %lt3A_339 : i32 to vector<16xi32>
      %lt3A_341 = arith.cmpi slt, %broadcast_in_dim3A_338, %lt3A_340 : vector<16xi32>
      %add3A_342 = arith.constant 16 : i32
      %add3A_343 = vector.broadcast %add3A_342 : i32 to vector<16xi32>
      %add3A_344 = arith.addi %broadcast_in_dim3A_338, %add3A_343 : vector<16xi32>
      %select_n3A_345 = arith.select %lt3A_341, %add3A_344, %broadcast_in_dim3A_338 : vector<16xi1>, vector<16xi32>
      %broadcast_in_dim3A_346 = vector.shape_cast %select_n3A_345 : vector<16xi32> to vector<16x1xi32>
      %gather3A_347 = vector.shape_cast %broadcast_in_dim3A_346 : vector<16x1xi32> to vector<16xi32>
      %gather3A_348 = tpu.dynamic_gather %convert_element_type3A_324[%gather3A_347] in [0] : vector<16xf32>, vector<16xi32> -> vector<16xf32>
      %broadcast_in_dim3A_349 = arith.constant 2 : i32
      %broadcast_in_dim3A_350 = vector.broadcast %broadcast_in_dim3A_349 : i32 to vector<16xi32>
      %lt3A_351 = arith.constant 0 : i32
      %lt3A_352 = vector.broadcast %lt3A_351 : i32 to vector<16xi32>
      %lt3A_353 = arith.cmpi slt, %broadcast_in_dim3A_350, %lt3A_352 : vector<16xi32>
      %add3A_354 = arith.constant 16 : i32
      %add3A_355 = vector.broadcast %add3A_354 : i32 to vector<16xi32>
      %add3A_356 = arith.addi %broadcast_in_dim3A_350, %add3A_355 : vector<16xi32>
      %select_n3A_357 = arith.select %lt3A_353, %add3A_356, %broadcast_in_dim3A_350 : vector<16xi1>, vector<16xi32>
      %broadcast_in_dim3A_358 = vector.shape_cast %select_n3A_357 : vector<16xi32> to vector<16x1xi32>
      %gather3A_359 = vector.shape_cast %broadcast_in_dim3A_358 : vector<16x1xi32> to vector<16xi32>
      %gather3A_360 = tpu.dynamic_gather %convert_element_type3A_324[%gather3A_359] in [0] : vector<16xf32>, vector<16xi32> -> vector<16xf32>
      %broadcast_in_dim3A_361 = arith.constant 3 : i32
      %broadcast_in_dim3A_362 = vector.broadcast %broadcast_in_dim3A_361 : i32 to vector<16xi32>
      %lt3A_363 = arith.constant 0 : i32
      %lt3A_364 = vector.broadcast %lt3A_363 : i32 to vector<16xi32>
      %lt3A_365 = arith.cmpi slt, %broadcast_in_dim3A_362, %lt3A_364 : vector<16xi32>
      %add3A_366 = arith.constant 16 : i32
      %add3A_367 = vector.broadcast %add3A_366 : i32 to vector<16xi32>
      %add3A_368 = arith.addi %broadcast_in_dim3A_362, %add3A_367 : vector<16xi32>
      %select_n3A_369 = arith.select %lt3A_365, %add3A_368, %broadcast_in_dim3A_362 : vector<16xi1>, vector<16xi32>
      %broadcast_in_dim3A_370 = vector.shape_cast %select_n3A_369 : vector<16xi32> to vector<16x1xi32>
      %gather3A_371 = vector.shape_cast %broadcast_in_dim3A_370 : vector<16x1xi32> to vector<16xi32>
      %gather3A_372 = tpu.dynamic_gather %convert_element_type3A_324[%gather3A_371] in [0] : vector<16xf32>, vector<16xi32> -> vector<16xf32>
      %broadcast_in_dim3A_373 = arith.constant 4 : i32
      %broadcast_in_dim3A_374 = vector.broadcast %broadcast_in_dim3A_373 : i32 to vector<16xi32>
      %lt3A_375 = arith.constant 0 : i32
      %lt3A_376 = vector.broadcast %lt3A_375 : i32 to vector<16xi32>
      %lt3A_377 = arith.cmpi slt, %broadcast_in_dim3A_374, %lt3A_376 : vector<16xi32>
      %add3A_378 = arith.constant 16 : i32
      %add3A_379 = vector.broadcast %add3A_378 : i32 to vector<16xi32>
      %add3A_380 = arith.addi %broadcast_in_dim3A_374, %add3A_379 : vector<16xi32>
      %select_n3A_381 = arith.select %lt3A_377, %add3A_380, %broadcast_in_dim3A_374 : vector<16xi1>, vector<16xi32>
      %broadcast_in_dim3A_382 = vector.shape_cast %select_n3A_381 : vector<16xi32> to vector<16x1xi32>
      %gather3A_383 = vector.shape_cast %broadcast_in_dim3A_382 : vector<16x1xi32> to vector<16xi32>
      %gather3A_384 = tpu.dynamic_gather %convert_element_type3A_324[%gather3A_383] in [0] : vector<16xf32>, vector<16xi32> -> vector<16xf32>
      %broadcast_in_dim3A_385 = arith.constant 5 : i32
      %broadcast_in_dim3A_386 = vector.broadcast %broadcast_in_dim3A_385 : i32 to vector<16xi32>
      %lt3A_387 = arith.constant 0 : i32
      %lt3A_388 = vector.broadcast %lt3A_387 : i32 to vector<16xi32>
      %lt3A_389 = arith.cmpi slt, %broadcast_in_dim3A_386, %lt3A_388 : vector<16xi32>
      %add3A_390 = arith.constant 16 : i32
      %add3A_391 = vector.broadcast %add3A_390 : i32 to vector<16xi32>
      %add3A_392 = arith.addi %broadcast_in_dim3A_386, %add3A_391 : vector<16xi32>
      %select_n3A_393 = arith.select %lt3A_389, %add3A_392, %broadcast_in_dim3A_386 : vector<16xi1>, vector<16xi32>
      %broadcast_in_dim3A_394 = vector.shape_cast %select_n3A_393 : vector<16xi32> to vector<16x1xi32>
      %gather3A_395 = vector.shape_cast %broadcast_in_dim3A_394 : vector<16x1xi32> to vector<16xi32>
      %gather3A_396 = tpu.dynamic_gather %convert_element_type3A_324[%gather3A_395] in [0] : vector<16xf32>, vector<16xi32> -> vector<16xf32>
      %broadcast_in_dim3A_397 = arith.constant 6 : i32
      %broadcast_in_dim3A_398 = vector.broadcast %broadcast_in_dim3A_397 : i32 to vector<16xi32>
      %lt3A_399 = arith.constant 0 : i32
      %lt3A_400 = vector.broadcast %lt3A_399 : i32 to vector<16xi32>
      %lt3A_401 = arith.cmpi slt, %broadcast_in_dim3A_398, %lt3A_400 : vector<16xi32>
      %add3A_402 = arith.constant 16 : i32
      %add3A_403 = vector.broadcast %add3A_402 : i32 to vector<16xi32>
      %add3A_404 = arith.addi %broadcast_in_dim3A_398, %add3A_403 : vector<16xi32>
      %select_n3A_405 = arith.select %lt3A_401, %add3A_404, %broadcast_in_dim3A_398 : vector<16xi1>, vector<16xi32>
      %broadcast_in_dim3A_406 = vector.shape_cast %select_n3A_405 : vector<16xi32> to vector<16x1xi32>
      %gather3A_407 = vector.shape_cast %broadcast_in_dim3A_406 : vector<16x1xi32> to vector<16xi32>
      %gather3A_408 = tpu.dynamic_gather %convert_element_type3A_324[%gather3A_407] in [0] : vector<16xf32>, vector<16xi32> -> vector<16xf32>
      %broadcast_in_dim3A_409 = arith.constant 7 : i32
      %broadcast_in_dim3A_410 = vector.broadcast %broadcast_in_dim3A_409 : i32 to vector<16xi32>
      %lt3A_411 = arith.constant 0 : i32
      %lt3A_412 = vector.broadcast %lt3A_411 : i32 to vector<16xi32>
      %lt3A_413 = arith.cmpi slt, %broadcast_in_dim3A_410, %lt3A_412 : vector<16xi32>
      %add3A_414 = arith.constant 16 : i32
      %add3A_415 = vector.broadcast %add3A_414 : i32 to vector<16xi32>
      %add3A_416 = arith.addi %broadcast_in_dim3A_410, %add3A_415 : vector<16xi32>
      %select_n3A_417 = arith.select %lt3A_413, %add3A_416, %broadcast_in_dim3A_410 : vector<16xi1>, vector<16xi32>
      %broadcast_in_dim3A_418 = vector.shape_cast %select_n3A_417 : vector<16xi32> to vector<16x1xi32>
      %gather3A_419 = vector.shape_cast %broadcast_in_dim3A_418 : vector<16x1xi32> to vector<16xi32>
      %gather3A_420 = tpu.dynamic_gather %convert_element_type3A_324[%gather3A_419] in [0] : vector<16xf32>, vector<16xi32> -> vector<16xf32>
      %broadcast_in_dim3A_421 = arith.constant 8 : i32
      %broadcast_in_dim3A_422 = vector.broadcast %broadcast_in_dim3A_421 : i32 to vector<16xi32>
      %lt3A_423 = arith.constant 0 : i32
      %lt3A_424 = vector.broadcast %lt3A_423 : i32 to vector<16xi32>
      %lt3A_425 = arith.cmpi slt, %broadcast_in_dim3A_422, %lt3A_424 : vector<16xi32>
      %add3A_426 = arith.constant 16 : i32
      %add3A_427 = vector.broadcast %add3A_426 : i32 to vector<16xi32>
      %add3A_428 = arith.addi %broadcast_in_dim3A_422, %add3A_427 : vector<16xi32>
      %select_n3A_429 = arith.select %lt3A_425, %add3A_428, %broadcast_in_dim3A_422 : vector<16xi1>, vector<16xi32>
      %broadcast_in_dim3A_430 = vector.shape_cast %select_n3A_429 : vector<16xi32> to vector<16x1xi32>
      %gather3A_431 = vector.shape_cast %broadcast_in_dim3A_430 : vector<16x1xi32> to vector<16xi32>
      %gather3A_432 = tpu.dynamic_gather %convert_element_type3A_324[%gather3A_431] in [0] : vector<16xf32>, vector<16xi32> -> vector<16xf32>
      %broadcast_in_dim3A_433 = arith.constant 9 : i32
      %broadcast_in_dim3A_434 = vector.broadcast %broadcast_in_dim3A_433 : i32 to vector<16xi32>
      %lt3A_435 = arith.constant 0 : i32
      %lt3A_436 = vector.broadcast %lt3A_435 : i32 to vector<16xi32>
      %lt3A_437 = arith.cmpi slt, %broadcast_in_dim3A_434, %lt3A_436 : vector<16xi32>
      %add3A_438 = arith.constant 16 : i32
      %add3A_439 = vector.broadcast %add3A_438 : i32 to vector<16xi32>
      %add3A_440 = arith.addi %broadcast_in_dim3A_434, %add3A_439 : vector<16xi32>
      %select_n3A_441 = arith.select %lt3A_437, %add3A_440, %broadcast_in_dim3A_434 : vector<16xi1>, vector<16xi32>
      %broadcast_in_dim3A_442 = vector.shape_cast %select_n3A_441 : vector<16xi32> to vector<16x1xi32>
      %gather3A_443 = vector.shape_cast %broadcast_in_dim3A_442 : vector<16x1xi32> to vector<16xi32>
      %gather3A_444 = tpu.dynamic_gather %convert_element_type3A_324[%gather3A_443] in [0] : vector<16xf32>, vector<16xi32> -> vector<16xf32>
      %broadcast_in_dim3A_445 = arith.constant 10 : i32
      %broadcast_in_dim3A_446 = vector.broadcast %broadcast_in_dim3A_445 : i32 to vector<16xi32>
      %lt3A_447 = arith.constant 0 : i32
      %lt3A_448 = vector.broadcast %lt3A_447 : i32 to vector<16xi32>
      %lt3A_449 = arith.cmpi slt, %broadcast_in_dim3A_446, %lt3A_448 : vector<16xi32>
      %add3A_450 = arith.constant 16 : i32
      %add3A_451 = vector.broadcast %add3A_450 : i32 to vector<16xi32>
      %add3A_452 = arith.addi %broadcast_in_dim3A_446, %add3A_451 : vector<16xi32>
      %select_n3A_453 = arith.select %lt3A_449, %add3A_452, %broadcast_in_dim3A_446 : vector<16xi1>, vector<16xi32>
      %broadcast_in_dim3A_454 = vector.shape_cast %select_n3A_453 : vector<16xi32> to vector<16x1xi32>
      %gather3A_455 = vector.shape_cast %broadcast_in_dim3A_454 : vector<16x1xi32> to vector<16xi32>
      %gather3A_456 = tpu.dynamic_gather %convert_element_type3A_324[%gather3A_455] in [0] : vector<16xf32>, vector<16xi32> -> vector<16xf32>
      %broadcast_in_dim3A_457 = arith.constant 11 : i32
      %broadcast_in_dim3A_458 = vector.broadcast %broadcast_in_dim3A_457 : i32 to vector<16xi32>
      %lt3A_459 = arith.constant 0 : i32
      %lt3A_460 = vector.broadcast %lt3A_459 : i32 to vector<16xi32>
      %lt3A_461 = arith.cmpi slt, %broadcast_in_dim3A_458, %lt3A_460 : vector<16xi32>
      %add3A_462 = arith.constant 16 : i32
      %add3A_463 = vector.broadcast %add3A_462 : i32 to vector<16xi32>
      %add3A_464 = arith.addi %broadcast_in_dim3A_458, %add3A_463 : vector<16xi32>
      %select_n3A_465 = arith.select %lt3A_461, %add3A_464, %broadcast_in_dim3A_458 : vector<16xi1>, vector<16xi32>
      %broadcast_in_dim3A_466 = vector.shape_cast %select_n3A_465 : vector<16xi32> to vector<16x1xi32>
      %gather3A_467 = vector.shape_cast %broadcast_in_dim3A_466 : vector<16x1xi32> to vector<16xi32>
      %gather3A_468 = tpu.dynamic_gather %convert_element_type3A_324[%gather3A_467] in [0] : vector<16xf32>, vector<16xi32> -> vector<16xf32>
      %broadcast_in_dim3A_469 = arith.constant 12 : i32
      %broadcast_in_dim3A_470 = vector.broadcast %broadcast_in_dim3A_469 : i32 to vector<16xi32>
      %lt3A_471 = arith.constant 0 : i32
      %lt3A_472 = vector.broadcast %lt3A_471 : i32 to vector<16xi32>
      %lt3A_473 = arith.cmpi slt, %broadcast_in_dim3A_470, %lt3A_472 : vector<16xi32>
      %add3A_474 = arith.constant 16 : i32
      %add3A_475 = vector.broadcast %add3A_474 : i32 to vector<16xi32>
      %add3A_476 = arith.addi %broadcast_in_dim3A_470, %add3A_475 : vector<16xi32>
      %select_n3A_477 = arith.select %lt3A_473, %add3A_476, %broadcast_in_dim3A_470 : vector<16xi1>, vector<16xi32>
      %broadcast_in_dim3A_478 = vector.shape_cast %select_n3A_477 : vector<16xi32> to vector<16x1xi32>
      %gather3A_479 = vector.shape_cast %broadcast_in_dim3A_478 : vector<16x1xi32> to vector<16xi32>
      %gather3A_480 = tpu.dynamic_gather %convert_element_type3A_324[%gather3A_479] in [0] : vector<16xf32>, vector<16xi32> -> vector<16xf32>
      %broadcast_in_dim3A_481 = arith.constant 13 : i32
      %broadcast_in_dim3A_482 = vector.broadcast %broadcast_in_dim3A_481 : i32 to vector<16xi32>
      %lt3A_483 = arith.constant 0 : i32
      %lt3A_484 = vector.broadcast %lt3A_483 : i32 to vector<16xi32>
      %lt3A_485 = arith.cmpi slt, %broadcast_in_dim3A_482, %lt3A_484 : vector<16xi32>
      %add3A_486 = arith.constant 16 : i32
      %add3A_487 = vector.broadcast %add3A_486 : i32 to vector<16xi32>
      %add3A_488 = arith.addi %broadcast_in_dim3A_482, %add3A_487 : vector<16xi32>
      %select_n3A_489 = arith.select %lt3A_485, %add3A_488, %broadcast_in_dim3A_482 : vector<16xi1>, vector<16xi32>
      %broadcast_in_dim3A_490 = vector.shape_cast %select_n3A_489 : vector<16xi32> to vector<16x1xi32>
      %gather3A_491 = vector.shape_cast %broadcast_in_dim3A_490 : vector<16x1xi32> to vector<16xi32>
      %gather3A_492 = tpu.dynamic_gather %convert_element_type3A_324[%gather3A_491] in [0] : vector<16xf32>, vector<16xi32> -> vector<16xf32>
      %broadcast_in_dim3A_493 = arith.constant 14 : i32
      %broadcast_in_dim3A_494 = vector.broadcast %broadcast_in_dim3A_493 : i32 to vector<16xi32>
      %lt3A_495 = arith.constant 0 : i32
      %lt3A_496 = vector.broadcast %lt3A_495 : i32 to vector<16xi32>
      %lt3A_497 = arith.cmpi slt, %broadcast_in_dim3A_494, %lt3A_496 : vector<16xi32>
      %add3A_498 = arith.constant 16 : i32
      %add3A_499 = vector.broadcast %add3A_498 : i32 to vector<16xi32>
      %add3A_500 = arith.addi %broadcast_in_dim3A_494, %add3A_499 : vector<16xi32>
      %select_n3A_501 = arith.select %lt3A_497, %add3A_500, %broadcast_in_dim3A_494 : vector<16xi1>, vector<16xi32>
      %broadcast_in_dim3A_502 = vector.shape_cast %select_n3A_501 : vector<16xi32> to vector<16x1xi32>
      %gather3A_503 = vector.shape_cast %broadcast_in_dim3A_502 : vector<16x1xi32> to vector<16xi32>
      %gather3A_504 = tpu.dynamic_gather %convert_element_type3A_324[%gather3A_503] in [0] : vector<16xf32>, vector<16xi32> -> vector<16xf32>
      %broadcast_in_dim3A_505 = arith.constant 15 : i32
      %broadcast_in_dim3A_506 = vector.broadcast %broadcast_in_dim3A_505 : i32 to vector<16xi32>
      %lt3A_507 = arith.constant 0 : i32
      %lt3A_508 = vector.broadcast %lt3A_507 : i32 to vector<16xi32>
      %lt3A_509 = arith.cmpi slt, %broadcast_in_dim3A_506, %lt3A_508 : vector<16xi32>
      %add3A_510 = arith.constant 16 : i32
      %add3A_511 = vector.broadcast %add3A_510 : i32 to vector<16xi32>
      %add3A_512 = arith.addi %broadcast_in_dim3A_506, %add3A_511 : vector<16xi32>
      %select_n3A_513 = arith.select %lt3A_509, %add3A_512, %broadcast_in_dim3A_506 : vector<16xi1>, vector<16xi32>
      %broadcast_in_dim3A_514 = vector.shape_cast %select_n3A_513 : vector<16xi32> to vector<16x1xi32>
      %gather3A_515 = vector.shape_cast %broadcast_in_dim3A_514 : vector<16x1xi32> to vector<16xi32>
      %gather3A_516 = tpu.dynamic_gather %convert_element_type3A_324[%gather3A_515] in [0] : vector<16xf32>, vector<16xi32> -> vector<16xf32>
      %sub3A_517 = arith.constant 1.000000e+00 : f32
      %sub3A_518 = vector.broadcast %sub3A_517 : f32 to vector<16xf32>
      %sub3A_519 = arith.subf %sub3A_518, %gather3A_336 : vector<16xf32>
      %sub3A_520 = arith.constant 1.000000e+00 : f32
      %sub3A_521 = vector.broadcast %sub3A_520 : f32 to vector<16xf32>
      %sub3A_522 = arith.subf %sub3A_521, %gather3A_348 : vector<16xf32>
      %sub3A_523 = arith.constant 1.000000e+00 : f32
      %sub3A_524 = vector.broadcast %sub3A_523 : f32 to vector<16xf32>
      %sub3A_525 = arith.subf %sub3A_524, %gather3A_360 : vector<16xf32>
      %sub3A_526 = arith.constant 1.000000e+00 : f32
      %sub3A_527 = vector.broadcast %sub3A_526 : f32 to vector<16xf32>
      %sub3A_528 = arith.subf %sub3A_527, %gather3A_372 : vector<16xf32>
      %sub3A_529 = arith.constant 1.000000e+00 : f32
      %sub3A_530 = vector.broadcast %sub3A_529 : f32 to vector<16xf32>
      %sub3A_531 = arith.subf %sub3A_530, %gather3A_384 : vector<16xf32>
      %sub3A_532 = arith.constant 1.000000e+00 : f32
      %sub3A_533 = vector.broadcast %sub3A_532 : f32 to vector<16xf32>
      %sub3A_534 = arith.subf %sub3A_533, %gather3A_396 : vector<16xf32>
      %sub3A_535 = arith.constant 1.000000e+00 : f32
      %sub3A_536 = vector.broadcast %sub3A_535 : f32 to vector<16xf32>
      %sub3A_537 = arith.subf %sub3A_536, %gather3A_408 : vector<16xf32>
      %sub3A_538 = arith.constant 1.000000e+00 : f32
      %sub3A_539 = vector.broadcast %sub3A_538 : f32 to vector<16xf32>
      %sub3A_540 = arith.subf %sub3A_539, %gather3A_420 : vector<16xf32>
      %sub3A_541 = arith.constant 1.000000e+00 : f32
      %sub3A_542 = vector.broadcast %sub3A_541 : f32 to vector<16xf32>
      %sub3A_543 = arith.subf %sub3A_542, %gather3A_432 : vector<16xf32>
      %sub3A_544 = arith.constant 1.000000e+00 : f32
      %sub3A_545 = vector.broadcast %sub3A_544 : f32 to vector<16xf32>
      %sub3A_546 = arith.subf %sub3A_545, %gather3A_444 : vector<16xf32>
      %sub3A_547 = arith.constant 1.000000e+00 : f32
      %sub3A_548 = vector.broadcast %sub3A_547 : f32 to vector<16xf32>
      %sub3A_549 = arith.subf %sub3A_548, %gather3A_456 : vector<16xf32>
      %sub3A_550 = arith.constant 1.000000e+00 : f32
      %sub3A_551 = vector.broadcast %sub3A_550 : f32 to vector<16xf32>
      %sub3A_552 = arith.subf %sub3A_551, %gather3A_468 : vector<16xf32>
      %sub3A_553 = arith.constant 1.000000e+00 : f32
      %sub3A_554 = vector.broadcast %sub3A_553 : f32 to vector<16xf32>
      %sub3A_555 = arith.subf %sub3A_554, %gather3A_480 : vector<16xf32>
      %sub3A_556 = arith.constant 1.000000e+00 : f32
      %sub3A_557 = vector.broadcast %sub3A_556 : f32 to vector<16xf32>
      %sub3A_558 = arith.subf %sub3A_557, %gather3A_492 : vector<16xf32>
      %sub3A_559 = arith.constant 1.000000e+00 : f32
      %sub3A_560 = vector.broadcast %sub3A_559 : f32 to vector<16xf32>
      %sub3A_561 = arith.subf %sub3A_560, %gather3A_504 : vector<16xf32>
      %sub3A_562 = arith.constant 1.000000e+00 : f32
      %sub3A_563 = vector.broadcast %sub3A_562 : f32 to vector<16xf32>
      %sub3A_564 = arith.subf %sub3A_563, %gather3A_516 : vector<16xf32>
      %parallel_loop3A_565 = arith.constant 0 : i32
      %parallel_loop3A_566 = arith.constant 32 : i32
      %parallel_loop3A_567 = arith.constant 1 : i32
      scf.for %parallel_loop3A_581 = %parallel_loop3A_565 to %parallel_loop3A_566 step %parallel_loop3A_567  : i32 {
        %parallel_loop3A_582 = arith.constant 16 : i32
        %parallel_loop3A_583 = arith.muli %parallel_loop3A_581, %parallel_loop3A_582 : i32
        %parallel_loop3A_584 = arith.constant 0 : i32
        %parallel_loop3A_585 = arith.index_cast %parallel_loop3A_584 : i32 to index
        %parallel_loop3A_586 = arith.index_cast %parallel_loop3A_583 : i32 to index
        %parallel_loop3A_587 = tpu.vector_load %arg6[%parallel_loop3A_585, %parallel_loop3A_586] {strides = array<i32>} : memref<2x512xf32, #tpu.memory_space<vmem>>, vector<1x16xf32>,
        %parallel_loop3A_588 = vector.shape_cast %parallel_loop3A_587 : vector<1x16xf32> to vector<16xf32>
        %parallel_loop3A_589 = arith.constant 16 : i32
        %parallel_loop3A_590 = arith.muli %parallel_loop3A_581, %parallel_loop3A_589 : i32
        %parallel_loop3A_591 = arith.constant 1 : i32
        %parallel_loop3A_592 = arith.index_cast %parallel_loop3A_591 : i32 to index
        %parallel_loop3A_593 = arith.index_cast %parallel_loop3A_590 : i32 to index
        %parallel_loop3A_594 = tpu.vector_load %arg6[%parallel_loop3A_592, %parallel_loop3A_593] {strides = array<i32>} : memref<2x512xf32, #tpu.memory_space<vmem>>, vector<1x16xf32>,
        %parallel_loop3A_595 = vector.shape_cast %parallel_loop3A_594 : vector<1x16xf32> to vector<16xf32>
        %parallel_loop3A_596 = arith.mulf %gather3A_336, %parallel_loop3A_595 : vector<16xf32>
        %parallel_loop3A_597 = arith.mulf %sub3A_519, %parallel_loop3A_588 : vector<16xf32>
        %parallel_loop3A_598 = arith.addf %parallel_loop3A_596, %parallel_loop3A_597 : vector<16xf32>
        %parallel_loop3A_599 = arith.constant 16 : i32
        %parallel_loop3A_600 = arith.muli %parallel_loop3A_581, %parallel_loop3A_599 : i32
        %parallel_loop3A_601 = arith.constant 16 : i32
        %parallel_loop3A_602 = arith.index_cast %rem3A_71 : i32 to index
        %parallel_loop3A_603 = arith.index_cast %parallel_loop3A_601 : i32 to index
        %parallel_loop3A_604 = arith.index_cast %parallel_loop3A_600 : i32 to index
        %parallel_loop3A_605 = tpu.vector_load %arg7[%parallel_loop3A_602, %parallel_loop3A_603, %parallel_loop3A_604] {strides = array<i32>} : memref<4x32x512xf32, #tpu.memory_space<vmem>>, vector<1x1x16xf32>,
        %parallel_loop3A_606 = vector.shape_cast %parallel_loop3A_605 : vector<1x1x16xf32> to vector<16xf32>
        %parallel_loop3A_607 = vector.shape_cast %parallel_loop3A_598 : vector<16xf32> to vector<1x1x16xf32>
        tpu.vector_store %arg7[%parallel_loop3A_602, %parallel_loop3A_603, %parallel_loop3A_604], %parallel_loop3A_607 {strides = array<i32>} : memref<4x32x512xf32, #tpu.memory_space<vmem>>, vector<1x1x16xf32>,
        %parallel_loop3A_608 = arith.mulf %gather3A_348, %parallel_loop3A_595 : vector<16xf32>
        %parallel_loop3A_609 = arith.mulf %sub3A_522, %parallel_loop3A_588 : vector<16xf32>
        %parallel_loop3A_610 = arith.addf %parallel_loop3A_608, %parallel_loop3A_609 : vector<16xf32>
        %parallel_loop3A_611 = arith.constant 16 : i32
        %parallel_loop3A_612 = arith.muli %parallel_loop3A_581, %parallel_loop3A_611 : i32
        %parallel_loop3A_613 = arith.constant 17 : i32
        %parallel_loop3A_614 = arith.index_cast %rem3A_71 : i32 to index
        %parallel_loop3A_615 = arith.index_cast %parallel_loop3A_613 : i32 to index
        %parallel_loop3A_616 = arith.index_cast %parallel_loop3A_612 : i32 to index
        %parallel_loop3A_617 = tpu.vector_load %arg7[%parallel_loop3A_614, %parallel_loop3A_615, %parallel_loop3A_616] {strides = array<i32>} : memref<4x32x512xf32, #tpu.memory_space<vmem>>, vector<1x1x16xf32>,
        %parallel_loop3A_618 = vector.shape_cast %parallel_loop3A_617 : vector<1x1x16xf32> to vector<16xf32>
        %parallel_loop3A_619 = vector.shape_cast %parallel_loop3A_610 : vector<16xf32> to vector<1x1x16xf32>
        tpu.vector_store %arg7[%parallel_loop3A_614, %parallel_loop3A_615, %parallel_loop3A_616], %parallel_loop3A_619 {strides = array<i32>} : memref<4x32x512xf32, #tpu.memory_space<vmem>>, vector<1x1x16xf32>,
        %parallel_loop3A_620 = arith.mulf %gather3A_360, %parallel_loop3A_595 : vector<16xf32>
        %parallel_loop3A_621 = arith.mulf %sub3A_525, %parallel_loop3A_588 : vector<16xf32>
        %parallel_loop3A_622 = arith.addf %parallel_loop3A_620, %parallel_loop3A_621 : vector<16xf32>
        %parallel_loop3A_623 = arith.constant 16 : i32
        %parallel_loop3A_624 = arith.muli %parallel_loop3A_581, %parallel_loop3A_623 : i32
        %parallel_loop3A_625 = arith.constant 18 : i32
        %parallel_loop3A_626 = arith.index_cast %rem3A_71 : i32 to index
        %parallel_loop3A_627 = arith.index_cast %parallel_loop3A_625 : i32 to index
        %parallel_loop3A_628 = arith.index_cast %parallel_loop3A_624 : i32 to index
        %parallel_loop3A_629 = tpu.vector_load %arg7[%parallel_loop3A_626, %parallel_loop3A_627, %parallel_loop3A_628] {strides = array<i32>} : memref<4x32x512xf32, #tpu.memory_space<vmem>>, vector<1x1x16xf32>,
        %parallel_loop3A_630 = vector.shape_cast %parallel_loop3A_629 : vector<1x1x16xf32> to vector<16xf32>
        %parallel_loop3A_631 = vector.shape_cast %parallel_loop3A_622 : vector<16xf32> to vector<1x1x16xf32>
        tpu.vector_store %arg7[%parallel_loop3A_626, %parallel_loop3A_627, %parallel_loop3A_628], %parallel_loop3A_631 {strides = array<i32>} : memref<4x32x512xf32, #tpu.memory_space<vmem>>, vector<1x1x16xf32>,
        %parallel_loop3A_632 = arith.mulf %gather3A_372, %parallel_loop3A_595 : vector<16xf32>
        %parallel_loop3A_633 = arith.mulf %sub3A_528, %parallel_loop3A_588 : vector<16xf32>
        %parallel_loop3A_634 = arith.addf %parallel_loop3A_632, %parallel_loop3A_633 : vector<16xf32>
        %parallel_loop3A_635 = arith.constant 16 : i32
        %parallel_loop3A_636 = arith.muli %parallel_loop3A_581, %parallel_loop3A_635 : i32
        %parallel_loop3A_637 = arith.constant 19 : i32
        %parallel_loop3A_638 = arith.index_cast %rem3A_71 : i32 to index
        %parallel_loop3A_639 = arith.index_cast %parallel_loop3A_637 : i32 to index
        %parallel_loop3A_640 = arith.index_cast %parallel_loop3A_636 : i32 to index
        %parallel_loop3A_641 = tpu.vector_load %arg7[%parallel_loop3A_638, %parallel_loop3A_639, %parallel_loop3A_640] {strides = array<i32>} : memref<4x32x512xf32, #tpu.memory_space<vmem>>, vector<1x1x16xf32>,
        %parallel_loop3A_642 = vector.shape_cast %parallel_loop3A_641 : vector<1x1x16xf32> to vector<16xf32>
        %parallel_loop3A_643 = vector.shape_cast %parallel_loop3A_634 : vector<16xf32> to vector<1x1x16xf32>
        tpu.vector_store %arg7[%parallel_loop3A_638, %parallel_loop3A_639, %parallel_loop3A_640], %parallel_loop3A_643 {strides = array<i32>} : memref<4x32x512xf32, #tpu.memory_space<vmem>>, vector<1x1x16xf32>,
        %parallel_loop3A_644 = arith.mulf %gather3A_384, %parallel_loop3A_595 : vector<16xf32>
        %parallel_loop3A_645 = arith.mulf %sub3A_531, %parallel_loop3A_588 : vector<16xf32>
        %parallel_loop3A_646 = arith.addf %parallel_loop3A_644, %parallel_loop3A_645 : vector<16xf32>
        %parallel_loop3A_647 = arith.constant 16 : i32
        %parallel_loop3A_648 = arith.muli %parallel_loop3A_581, %parallel_loop3A_647 : i32
        %parallel_loop3A_649 = arith.constant 20 : i32
        %parallel_loop3A_650 = arith.index_cast %rem3A_71 : i32 to index
        %parallel_loop3A_651 = arith.index_cast %parallel_loop3A_649 : i32 to index
        %parallel_loop3A_652 = arith.index_cast %parallel_loop3A_648 : i32 to index
        %parallel_loop3A_653 = tpu.vector_load %arg7[%parallel_loop3A_650, %parallel_loop3A_651, %parallel_loop3A_652] {strides = array<i32>} : memref<4x32x512xf32, #tpu.memory_space<vmem>>, vector<1x1x16xf32>,
        %parallel_loop3A_654 = vector.shape_cast %parallel_loop3A_653 : vector<1x1x16xf32> to vector<16xf32>
        %parallel_loop3A_655 = vector.shape_cast %parallel_loop3A_646 : vector<16xf32> to vector<1x1x16xf32>
        tpu.vector_store %arg7[%parallel_loop3A_650, %parallel_loop3A_651, %parallel_loop3A_652], %parallel_loop3A_655 {strides = array<i32>} : memref<4x32x512xf32, #tpu.memory_space<vmem>>, vector<1x1x16xf32>,
        %parallel_loop3A_656 = arith.mulf %gather3A_396, %parallel_loop3A_595 : vector<16xf32>
        %parallel_loop3A_657 = arith.mulf %sub3A_534, %parallel_loop3A_588 : vector<16xf32>
        %parallel_loop3A_658 = arith.addf %parallel_loop3A_656, %parallel_loop3A_657 : vector<16xf32>
        %parallel_loop3A_659 = arith.constant 16 : i32
        %parallel_loop3A_660 = arith.muli %parallel_loop3A_581, %parallel_loop3A_659 : i32
        %parallel_loop3A_661 = arith.constant 21 : i32
        %parallel_loop3A_662 = arith.index_cast %rem3A_71 : i32 to index
        %parallel_loop3A_663 = arith.index_cast %parallel_loop3A_661 : i32 to index
        %parallel_loop3A_664 = arith.index_cast %parallel_loop3A_660 : i32 to index
        %parallel_loop3A_665 = tpu.vector_load %arg7[%parallel_loop3A_662, %parallel_loop3A_663, %parallel_loop3A_664] {strides = array<i32>} : memref<4x32x512xf32, #tpu.memory_space<vmem>>, vector<1x1x16xf32>,
        %parallel_loop3A_666 = vector.shape_cast %parallel_loop3A_665 : vector<1x1x16xf32> to vector<16xf32>
        %parallel_loop3A_667 = vector.shape_cast %parallel_loop3A_658 : vector<16xf32> to vector<1x1x16xf32>
        tpu.vector_store %arg7[%parallel_loop3A_662, %parallel_loop3A_663, %parallel_loop3A_664], %parallel_loop3A_667 {strides = array<i32>} : memref<4x32x512xf32, #tpu.memory_space<vmem>>, vector<1x1x16xf32>,
        %parallel_loop3A_668 = arith.mulf %gather3A_408, %parallel_loop3A_595 : vector<16xf32>
        %parallel_loop3A_669 = arith.mulf %sub3A_537, %parallel_loop3A_588 : vector<16xf32>
        %parallel_loop3A_670 = arith.addf %parallel_loop3A_668, %parallel_loop3A_669 : vector<16xf32>
        %parallel_loop3A_671 = arith.constant 16 : i32
        %parallel_loop3A_672 = arith.muli %parallel_loop3A_581, %parallel_loop3A_671 : i32
        %parallel_loop3A_673 = arith.constant 22 : i32
        %parallel_loop3A_674 = arith.index_cast %rem3A_71 : i32 to index
        %parallel_loop3A_675 = arith.index_cast %parallel_loop3A_673 : i32 to index
        %parallel_loop3A_676 = arith.index_cast %parallel_loop3A_672 : i32 to index
        %parallel_loop3A_677 = tpu.vector_load %arg7[%parallel_loop3A_674, %parallel_loop3A_675, %parallel_loop3A_676] {strides = array<i32>} : memref<4x32x512xf32, #tpu.memory_space<vmem>>, vector<1x1x16xf32>,
        %parallel_loop3A_678 = vector.shape_cast %parallel_loop3A_677 : vector<1x1x16xf32> to vector<16xf32>
        %parallel_loop3A_679 = vector.shape_cast %parallel_loop3A_670 : vector<16xf32> to vector<1x1x16xf32>
        tpu.vector_store %arg7[%parallel_loop3A_674, %parallel_loop3A_675, %parallel_loop3A_676], %parallel_loop3A_679 {strides = array<i32>} : memref<4x32x512xf32, #tpu.memory_space<vmem>>, vector<1x1x16xf32>,
        %parallel_loop3A_680 = arith.mulf %gather3A_420, %parallel_loop3A_595 : vector<16xf32>
        %parallel_loop3A_681 = arith.mulf %sub3A_540, %parallel_loop3A_588 : vector<16xf32>
        %parallel_loop3A_682 = arith.addf %parallel_loop3A_680, %parallel_loop3A_681 : vector<16xf32>
        %parallel_loop3A_683 = arith.constant 16 : i32
        %parallel_loop3A_684 = arith.muli %parallel_loop3A_581, %parallel_loop3A_683 : i32
        %parallel_loop3A_685 = arith.constant 23 : i32
        %parallel_loop3A_686 = arith.index_cast %rem3A_71 : i32 to index
        %parallel_loop3A_687 = arith.index_cast %parallel_loop3A_685 : i32 to index
        %parallel_loop3A_688 = arith.index_cast %parallel_loop3A_684 : i32 to index
        %parallel_loop3A_689 = tpu.vector_load %arg7[%parallel_loop3A_686, %parallel_loop3A_687, %parallel_loop3A_688] {strides = array<i32>} : memref<4x32x512xf32, #tpu.memory_space<vmem>>, vector<1x1x16xf32>,
        %parallel_loop3A_690 = vector.shape_cast %parallel_loop3A_689 : vector<1x1x16xf32> to vector<16xf32>
        %parallel_loop3A_691 = vector.shape_cast %parallel_loop3A_682 : vector<16xf32> to vector<1x1x16xf32>
        tpu.vector_store %arg7[%parallel_loop3A_686, %parallel_loop3A_687, %parallel_loop3A_688], %parallel_loop3A_691 {strides = array<i32>} : memref<4x32x512xf32, #tpu.memory_space<vmem>>, vector<1x1x16xf32>,
        %parallel_loop3A_692 = arith.mulf %gather3A_432, %parallel_loop3A_595 : vector<16xf32>
        %parallel_loop3A_693 = arith.mulf %sub3A_543, %parallel_loop3A_588 : vector<16xf32>
        %parallel_loop3A_694 = arith.addf %parallel_loop3A_692, %parallel_loop3A_693 : vector<16xf32>
        %parallel_loop3A_695 = arith.constant 16 : i32
        %parallel_loop3A_696 = arith.muli %parallel_loop3A_581, %parallel_loop3A_695 : i32
        %parallel_loop3A_697 = arith.constant 24 : i32
        %parallel_loop3A_698 = arith.index_cast %rem3A_71 : i32 to index
        %parallel_loop3A_699 = arith.index_cast %parallel_loop3A_697 : i32 to index
        %parallel_loop3A_700 = arith.index_cast %parallel_loop3A_696 : i32 to index
        %parallel_loop3A_701 = tpu.vector_load %arg7[%parallel_loop3A_698, %parallel_loop3A_699, %parallel_loop3A_700] {strides = array<i32>} : memref<4x32x512xf32, #tpu.memory_space<vmem>>, vector<1x1x16xf32>,
        %parallel_loop3A_702 = vector.shape_cast %parallel_loop3A_701 : vector<1x1x16xf32> to vector<16xf32>
        %parallel_loop3A_703 = vector.shape_cast %parallel_loop3A_694 : vector<16xf32> to vector<1x1x16xf32>
        tpu.vector_store %arg7[%parallel_loop3A_698, %parallel_loop3A_699, %parallel_loop3A_700], %parallel_loop3A_703 {strides = array<i32>} : memref<4x32x512xf32, #tpu.memory_space<vmem>>, vector<1x1x16xf32>,
        %parallel_loop3A_704 = arith.mulf %gather3A_444, %parallel_loop3A_595 : vector<16xf32>
        %parallel_loop3A_705 = arith.mulf %sub3A_546, %parallel_loop3A_588 : vector<16xf32>
        %parallel_loop3A_706 = arith.addf %parallel_loop3A_704, %parallel_loop3A_705 : vector<16xf32>
        %parallel_loop3A_707 = arith.constant 16 : i32
        %parallel_loop3A_708 = arith.muli %parallel_loop3A_581, %parallel_loop3A_707 : i32
        %parallel_loop3A_709 = arith.constant 25 : i32
        %parallel_loop3A_710 = arith.index_cast %rem3A_71 : i32 to index
        %parallel_loop3A_711 = arith.index_cast %parallel_loop3A_709 : i32 to index
        %parallel_loop3A_712 = arith.index_cast %parallel_loop3A_708 : i32 to index
        %parallel_loop3A_713 = tpu.vector_load %arg7[%parallel_loop3A_710, %parallel_loop3A_711, %parallel_loop3A_712] {strides = array<i32>} : memref<4x32x512xf32, #tpu.memory_space<vmem>>, vector<1x1x16xf32>,
        %parallel_loop3A_714 = vector.shape_cast %parallel_loop3A_713 : vector<1x1x16xf32> to vector<16xf32>
        %parallel_loop3A_715 = vector.shape_cast %parallel_loop3A_706 : vector<16xf32> to vector<1x1x16xf32>
        tpu.vector_store %arg7[%parallel_loop3A_710, %parallel_loop3A_711, %parallel_loop3A_712], %parallel_loop3A_715 {strides = array<i32>} : memref<4x32x512xf32, #tpu.memory_space<vmem>>, vector<1x1x16xf32>,
        %parallel_loop3A_716 = arith.mulf %gather3A_456, %parallel_loop3A_595 : vector<16xf32>
        %parallel_loop3A_717 = arith.mulf %sub3A_549, %parallel_loop3A_588 : vector<16xf32>
        %parallel_loop3A_718 = arith.addf %parallel_loop3A_716, %parallel_loop3A_717 : vector<16xf32>
        %parallel_loop3A_719 = arith.constant 16 : i32
        %parallel_loop3A_720 = arith.muli %parallel_loop3A_581, %parallel_loop3A_719 : i32
        %parallel_loop3A_721 = arith.constant 26 : i32
        %parallel_loop3A_722 = arith.index_cast %rem3A_71 : i32 to index
        %parallel_loop3A_723 = arith.index_cast %parallel_loop3A_721 : i32 to index
        %parallel_loop3A_724 = arith.index_cast %parallel_loop3A_720 : i32 to index
        %parallel_loop3A_725 = tpu.vector_load %arg7[%parallel_loop3A_722, %parallel_loop3A_723, %parallel_loop3A_724] {strides = array<i32>} : memref<4x32x512xf32, #tpu.memory_space<vmem>>, vector<1x1x16xf32>,
        %parallel_loop3A_726 = vector.shape_cast %parallel_loop3A_725 : vector<1x1x16xf32> to vector<16xf32>
        %parallel_loop3A_727 = vector.shape_cast %parallel_loop3A_718 : vector<16xf32> to vector<1x1x16xf32>
        tpu.vector_store %arg7[%parallel_loop3A_722, %parallel_loop3A_723, %parallel_loop3A_724], %parallel_loop3A_727 {strides = array<i32>} : memref<4x32x512xf32, #tpu.memory_space<vmem>>, vector<1x1x16xf32>,
        %parallel_loop3A_728 = arith.mulf %gather3A_468, %parallel_loop3A_595 : vector<16xf32>
        %parallel_loop3A_729 = arith.mulf %sub3A_552, %parallel_loop3A_588 : vector<16xf32>
        %parallel_loop3A_730 = arith.addf %parallel_loop3A_728, %parallel_loop3A_729 : vector<16xf32>
        %parallel_loop3A_731 = arith.constant 16 : i32
        %parallel_loop3A_732 = arith.muli %parallel_loop3A_581, %parallel_loop3A_731 : i32
        %parallel_loop3A_733 = arith.constant 27 : i32
        %parallel_loop3A_734 = arith.index_cast %rem3A_71 : i32 to index
        %parallel_loop3A_735 = arith.index_cast %parallel_loop3A_733 : i32 to index
        %parallel_loop3A_736 = arith.index_cast %parallel_loop3A_732 : i32 to index
        %parallel_loop3A_737 = tpu.vector_load %arg7[%parallel_loop3A_734, %parallel_loop3A_735, %parallel_loop3A_736] {strides = array<i32>} : memref<4x32x512xf32, #tpu.memory_space<vmem>>, vector<1x1x16xf32>,
        %parallel_loop3A_738 = vector.shape_cast %parallel_loop3A_737 : vector<1x1x16xf32> to vector<16xf32>
        %parallel_loop3A_739 = vector.shape_cast %parallel_loop3A_730 : vector<16xf32> to vector<1x1x16xf32>
        tpu.vector_store %arg7[%parallel_loop3A_734, %parallel_loop3A_735, %parallel_loop3A_736], %parallel_loop3A_739 {strides = array<i32>} : memref<4x32x512xf32, #tpu.memory_space<vmem>>, vector<1x1x16xf32>,
        %parallel_loop3A_740 = arith.mulf %gather3A_480, %parallel_loop3A_595 : vector<16xf32>
        %parallel_loop3A_741 = arith.mulf %sub3A_555, %parallel_loop3A_588 : vector<16xf32>
        %parallel_loop3A_742 = arith.addf %parallel_loop3A_740, %parallel_loop3A_741 : vector<16xf32>
        %parallel_loop3A_743 = arith.constant 16 : i32
        %parallel_loop3A_744 = arith.muli %parallel_loop3A_581, %parallel_loop3A_743 : i32
        %parallel_loop3A_745 = arith.constant 28 : i32
        %parallel_loop3A_746 = arith.index_cast %rem3A_71 : i32 to index
        %parallel_loop3A_747 = arith.index_cast %parallel_loop3A_745 : i32 to index
        %parallel_loop3A_748 = arith.index_cast %parallel_loop3A_744 : i32 to index
        %parallel_loop3A_749 = tpu.vector_load %arg7[%parallel_loop3A_746, %parallel_loop3A_747, %parallel_loop3A_748] {strides = array<i32>} : memref<4x32x512xf32, #tpu.memory_space<vmem>>, vector<1x1x16xf32>,
        %parallel_loop3A_750 = vector.shape_cast %parallel_loop3A_749 : vector<1x1x16xf32> to vector<16xf32>
        %parallel_loop3A_751 = vector.shape_cast %parallel_loop3A_742 : vector<16xf32> to vector<1x1x16xf32>
        tpu.vector_store %arg7[%parallel_loop3A_746, %parallel_loop3A_747, %parallel_loop3A_748], %parallel_loop3A_751 {strides = array<i32>} : memref<4x32x512xf32, #tpu.memory_space<vmem>>, vector<1x1x16xf32>,
        %parallel_loop3A_752 = arith.mulf %gather3A_492, %parallel_loop3A_595 : vector<16xf32>
        %parallel_loop3A_753 = arith.mulf %sub3A_558, %parallel_loop3A_588 : vector<16xf32>
        %parallel_loop3A_754 = arith.addf %parallel_loop3A_752, %parallel_loop3A_753 : vector<16xf32>
        %parallel_loop3A_755 = arith.constant 16 : i32
        %parallel_loop3A_756 = arith.muli %parallel_loop3A_581, %parallel_loop3A_755 : i32
        %parallel_loop3A_757 = arith.constant 29 : i32
        %parallel_loop3A_758 = arith.index_cast %rem3A_71 : i32 to index
        %parallel_loop3A_759 = arith.index_cast %parallel_loop3A_757 : i32 to index
        %parallel_loop3A_760 = arith.index_cast %parallel_loop3A_756 : i32 to index
        %parallel_loop3A_761 = tpu.vector_load %arg7[%parallel_loop3A_758, %parallel_loop3A_759, %parallel_loop3A_760] {strides = array<i32>} : memref<4x32x512xf32, #tpu.memory_space<vmem>>, vector<1x1x16xf32>,
        %parallel_loop3A_762 = vector.shape_cast %parallel_loop3A_761 : vector<1x1x16xf32> to vector<16xf32>
        %parallel_loop3A_763 = vector.shape_cast %parallel_loop3A_754 : vector<16xf32> to vector<1x1x16xf32>
        tpu.vector_store %arg7[%parallel_loop3A_758, %parallel_loop3A_759, %parallel_loop3A_760], %parallel_loop3A_763 {strides = array<i32>} : memref<4x32x512xf32, #tpu.memory_space<vmem>>, vector<1x1x16xf32>,
        %parallel_loop3A_764 = arith.mulf %gather3A_504, %parallel_loop3A_595 : vector<16xf32>
        %parallel_loop3A_765 = arith.mulf %sub3A_561, %parallel_loop3A_588 : vector<16xf32>
        %parallel_loop3A_766 = arith.addf %parallel_loop3A_764, %parallel_loop3A_765 : vector<16xf32>
        %parallel_loop3A_767 = arith.constant 16 : i32
        %parallel_loop3A_768 = arith.muli %parallel_loop3A_581, %parallel_loop3A_767 : i32
        %parallel_loop3A_769 = arith.constant 30 : i32
        %parallel_loop3A_770 = arith.index_cast %rem3A_71 : i32 to index
        %parallel_loop3A_771 = arith.index_cast %parallel_loop3A_769 : i32 to index
        %parallel_loop3A_772 = arith.index_cast %parallel_loop3A_768 : i32 to index
        %parallel_loop3A_773 = tpu.vector_load %arg7[%parallel_loop3A_770, %parallel_loop3A_771, %parallel_loop3A_772] {strides = array<i32>} : memref<4x32x512xf32, #tpu.memory_space<vmem>>, vector<1x1x16xf32>,
        %parallel_loop3A_774 = vector.shape_cast %parallel_loop3A_773 : vector<1x1x16xf32> to vector<16xf32>
        %parallel_loop3A_775 = vector.shape_cast %parallel_loop3A_766 : vector<16xf32> to vector<1x1x16xf32>
        tpu.vector_store %arg7[%parallel_loop3A_770, %parallel_loop3A_771, %parallel_loop3A_772], %parallel_loop3A_775 {strides = array<i32>} : memref<4x32x512xf32, #tpu.memory_space<vmem>>, vector<1x1x16xf32>,
        %parallel_loop3A_776 = arith.mulf %gather3A_516, %parallel_loop3A_595 : vector<16xf32>
        %parallel_loop3A_777 = arith.mulf %sub3A_564, %parallel_loop3A_588 : vector<16xf32>
        %parallel_loop3A_778 = arith.addf %parallel_loop3A_776, %parallel_loop3A_777 : vector<16xf32>
        %parallel_loop3A_779 = arith.constant 16 : i32
        %parallel_loop3A_780 = arith.muli %parallel_loop3A_581, %parallel_loop3A_779 : i32
        %parallel_loop3A_781 = arith.constant 31 : i32
        %parallel_loop3A_782 = arith.index_cast %rem3A_71 : i32 to index
        %parallel_loop3A_783 = arith.index_cast %parallel_loop3A_781 : i32 to index
        %parallel_loop3A_784 = arith.index_cast %parallel_loop3A_780 : i32 to index
        %parallel_loop3A_785 = tpu.vector_load %arg7[%parallel_loop3A_782, %parallel_loop3A_783, %parallel_loop3A_784] {strides = array<i32>} : memref<4x32x512xf32, #tpu.memory_space<vmem>>, vector<1x1x16xf32>,
        %parallel_loop3A_786 = vector.shape_cast %parallel_loop3A_785 : vector<1x1x16xf32> to vector<16xf32>
        %parallel_loop3A_787 = vector.shape_cast %parallel_loop3A_778 : vector<16xf32> to vector<1x1x16xf32>
        tpu.vector_store %arg7[%parallel_loop3A_782, %parallel_loop3A_783, %parallel_loop3A_784], %parallel_loop3A_787 {strides = array<i32>} : memref<4x32x512xf32, #tpu.memory_space<vmem>>, vector<1x1x16xf32>,
      } {sc.loop_unroll_factor = 2 : i64, sc.parallel_access}
      %dma_start3A = arith.constant 0 : i32
      %dma_start3A_568 = arith.constant 0 : i32
      %dma_start3A_569 = tpu.memref_slice %arg7[%rem3A_71, %dma_start3A, %dma_start3A_568] : memref<4x32x512xf32, #tpu.memory_space<vmem>> -> memref<1x32x512xf32, #tpu.memory_space<vmem>>
      %dma_start3A_570 = tpu.memref_squeeze %dma_start3A_569 : memref<1x32x512xf32, #tpu.memory_space<vmem>> -> memref<32x512xf32, #tpu.memory_space<vmem>>
      %dma_start3A_571 = arith.constant 0 : i32
      %dma_start3A_572 = tpu.memref_slice %arg4[%add3A_74, %dma_start3A_571] : memref<16384x512xf32, #tpu.memory_space<hbm>> -> memref<32x512xf32, #tpu.memory_space<hbm>>
      %dma_start3A_573 = tpu.memref_slice %arg8[%rem3A_71] : memref<4x!tpu.dma_semaphore, #tpu.memory_space<semaphore_mem>> -> memref<1x!tpu.dma_semaphore, #tpu.memory_space<semaphore_mem>>
      %dma_start3A_574 = tpu.memref_squeeze %dma_start3A_573 : memref<1x!tpu.dma_semaphore, #tpu.memory_space<semaphore_mem>> -> memref<!tpu.dma_semaphore, #tpu.memory_space<semaphore_mem>>
      %dma_start3A_575 = arith.constant 0 : i32
      %dma_start3A_576 = tpu.memref_slice %arg4[%add3A_74, %dma_start3A_575] : memref<16384x512xf32, #tpu.memory_space<hbm>> -> memref<32x512xf32, #tpu.memory_space<hbm>>
      %dma_start3A_577 = arith.constant 0 : i32
      %dma_start3A_578 = arith.constant 0 : i32
      %dma_start3A_579 = tpu.memref_slice %arg7[%rem3A_71, %dma_start3A_577, %dma_start3A_578] : memref<4x32x512xf32, #tpu.memory_space<vmem>> -> memref<1x32x512xf32, #tpu.memory_space<vmem>>
      %dma_start3A_580 = tpu.memref_squeeze %dma_start3A_579 : memref<1x32x512xf32, #tpu.memory_space<vmem>> -> memref<32x512xf32, #tpu.memory_space<vmem>>
      tpu.enqueue_dma source(%dma_start3A_580 : memref<32x512xf32, #tpu.memory_space<vmem>>) target(%dma_start3A_576 : memref<32x512xf32, #tpu.memory_space<hbm>>) target_semaphore(%dma_start3A_574 : memref<!tpu.dma_semaphore, #tpu.memory_space<semaphore_mem>>)
    }
    %scan3A_6 = arith.constant 16 : i32
    %dma_wait3A = arith.constant 0 : i32
    %dma_wait3A_7 = arith.constant 0 : i32
    %dma_wait3A_8 = arith.constant 0 : i32
    %dma_wait3A_9 = arith.constant 0 : i32
    %dma_wait3A_10 = tpu.memref_slice %arg7[%dma_wait3A, %dma_wait3A_8, %dma_wait3A_9] : memref<4x32x512xf32, #tpu.memory_space<vmem>> -> memref<1x32x512xf32, #tpu.memory_space<vmem>>
    %dma_wait3A_11 = tpu.memref_squeeze %dma_wait3A_10 : memref<1x32x512xf32, #tpu.memory_space<vmem>> -> memref<32x512xf32, #tpu.memory_space<vmem>>
    %dma_wait3A_12 = arith.constant 0 : i32
    %dma_wait3A_13 = tpu.memref_slice %arg4[%mul3A_2, %dma_wait3A_12] : memref<16384x512xf32, #tpu.memory_space<hbm>> -> memref<32x512xf32, #tpu.memory_space<hbm>>
    %dma_wait3A_14 = tpu.memref_slice %arg8[%dma_wait3A_7] : memref<4x!tpu.dma_semaphore, #tpu.memory_space<semaphore_mem>> -> memref<1x!tpu.dma_semaphore, #tpu.memory_space<semaphore_mem>>
    %dma_wait3A_15 = tpu.memref_squeeze %dma_wait3A_14 : memref<1x!tpu.dma_semaphore, #tpu.memory_space<semaphore_mem>> -> memref<!tpu.dma_semaphore, #tpu.memory_space<semaphore_mem>>
    %dma_wait3A_16 = arith.constant 0 : i32
    %dma_wait3A_17 = tpu.memref_slice %arg4[%mul3A_2, %dma_wait3A_16] : memref<16384x512xf32, #tpu.memory_space<hbm>> -> memref<32x512xf32, #tpu.memory_space<hbm>>
    %dma_wait3A_18 = arith.constant 0 : i32
    %dma_wait3A_19 = arith.constant 0 : i32
    %dma_wait3A_20 = tpu.memref_slice %arg7[%dma_wait3A, %dma_wait3A_18, %dma_wait3A_19] : memref<4x32x512xf32, #tpu.memory_space<vmem>> -> memref<1x32x512xf32, #tpu.memory_space<vmem>>
    %dma_wait3A_21 = tpu.memref_squeeze %dma_wait3A_20 : memref<1x32x512xf32, #tpu.memory_space<vmem>> -> memref<32x512xf32, #tpu.memory_space<vmem>>
    tpu.wait_dma2 semaphore(%dma_wait3A_15 : memref<!tpu.dma_semaphore, #tpu.memory_space<semaphore_mem>>) src(%dma_wait3A_21 : memref<32x512xf32, #tpu.memory_space<vmem>>) dst(%dma_wait3A_17 : memref<32x512xf32, #tpu.memory_space<hbm>>)
    %dma_wait3A_22 = arith.constant 1 : i32
    %dma_wait3A_23 = arith.constant 1 : i32
    %dma_wait3A_24 = arith.constant 0 : i32
    %dma_wait3A_25 = arith.constant 0 : i32
    %dma_wait3A_26 = tpu.memref_slice %arg7[%dma_wait3A_22, %dma_wait3A_24, %dma_wait3A_25] : memref<4x32x512xf32, #tpu.memory_space<vmem>> -> memref<1x32x512xf32, #tpu.memory_space<vmem>>
    %dma_wait3A_27 = tpu.memref_squeeze %dma_wait3A_26 : memref<1x32x512xf32, #tpu.memory_space<vmem>> -> memref<32x512xf32, #tpu.memory_space<vmem>>
    %dma_wait3A_28 = arith.constant 0 : i32
    %dma_wait3A_29 = tpu.memref_slice %arg4[%mul3A_2, %dma_wait3A_28] : memref<16384x512xf32, #tpu.memory_space<hbm>> -> memref<32x512xf32, #tpu.memory_space<hbm>>
    %dma_wait3A_30 = tpu.memref_slice %arg8[%dma_wait3A_23] : memref<4x!tpu.dma_semaphore, #tpu.memory_space<semaphore_mem>> -> memref<1x!tpu.dma_semaphore, #tpu.memory_space<semaphore_mem>>
    %dma_wait3A_31 = tpu.memref_squeeze %dma_wait3A_30 : memref<1x!tpu.dma_semaphore, #tpu.memory_space<semaphore_mem>> -> memref<!tpu.dma_semaphore, #tpu.memory_space<semaphore_mem>>
    %dma_wait3A_32 = arith.constant 0 : i32
    %dma_wait3A_33 = tpu.memref_slice %arg4[%mul3A_2, %dma_wait3A_32] : memref<16384x512xf32, #tpu.memory_space<hbm>> -> memref<32x512xf32, #tpu.memory_space<hbm>>
    %dma_wait3A_34 = arith.constant 0 : i32
    %dma_wait3A_35 = arith.constant 0 : i32
    %dma_wait3A_36 = tpu.memref_slice %arg7[%dma_wait3A_22, %dma_wait3A_34, %dma_wait3A_35] : memref<4x32x512xf32, #tpu.memory_space<vmem>> -> memref<1x32x512xf32, #tpu.memory_space<vmem>>
    %dma_wait3A_37 = tpu.memref_squeeze %dma_wait3A_36 : memref<1x32x512xf32, #tpu.memory_space<vmem>> -> memref<32x512xf32, #tpu.memory_space<vmem>>
    tpu.wait_dma2 semaphore(%dma_wait3A_31 : memref<!tpu.dma_semaphore, #tpu.memory_space<semaphore_mem>>) src(%dma_wait3A_37 : memref<32x512xf32, #tpu.memory_space<vmem>>) dst(%dma_wait3A_33 : memref<32x512xf32, #tpu.memory_space<hbm>>)
    %dma_wait3A_38 = arith.constant 2 : i32
    %dma_wait3A_39 = arith.constant 2 : i32
    %dma_wait3A_40 = arith.constant 0 : i32
    %dma_wait3A_41 = arith.constant 0 : i32
    %dma_wait3A_42 = tpu.memref_slice %arg7[%dma_wait3A_38, %dma_wait3A_40, %dma_wait3A_41] : memref<4x32x512xf32, #tpu.memory_space<vmem>> -> memref<1x32x512xf32, #tpu.memory_space<vmem>>
    %dma_wait3A_43 = tpu.memref_squeeze %dma_wait3A_42 : memref<1x32x512xf32, #tpu.memory_space<vmem>> -> memref<32x512xf32, #tpu.memory_space<vmem>>
    %dma_wait3A_44 = arith.constant 0 : i32
    %dma_wait3A_45 = tpu.memref_slice %arg4[%mul3A_2, %dma_wait3A_44] : memref<16384x512xf32, #tpu.memory_space<hbm>> -> memref<32x512xf32, #tpu.memory_space<hbm>>
    %dma_wait3A_46 = tpu.memref_slice %arg8[%dma_wait3A_39] : memref<4x!tpu.dma_semaphore, #tpu.memory_space<semaphore_mem>> -> memref<1x!tpu.dma_semaphore, #tpu.memory_space<semaphore_mem>>
    %dma_wait3A_47 = tpu.memref_squeeze %dma_wait3A_46 : memref<1x!tpu.dma_semaphore, #tpu.memory_space<semaphore_mem>> -> memref<!tpu.dma_semaphore, #tpu.memory_space<semaphore_mem>>
    %dma_wait3A_48 = arith.constant 0 : i32
    %dma_wait3A_49 = tpu.memref_slice %arg4[%mul3A_2, %dma_wait3A_48] : memref<16384x512xf32, #tpu.memory_space<hbm>> -> memref<32x512xf32, #tpu.memory_space<hbm>>
    %dma_wait3A_50 = arith.constant 0 : i32
    %dma_wait3A_51 = arith.constant 0 : i32
    %dma_wait3A_52 = tpu.memref_slice %arg7[%dma_wait3A_38, %dma_wait3A_50, %dma_wait3A_51] : memref<4x32x512xf32, #tpu.memory_space<vmem>> -> memref<1x32x512xf32, #tpu.memory_space<vmem>>
    %dma_wait3A_53 = tpu.memref_squeeze %dma_wait3A_52 : memref<1x32x512xf32, #tpu.memory_space<vmem>> -> memref<32x512xf32, #tpu.memory_space<vmem>>
    tpu.wait_dma2 semaphore(%dma_wait3A_47 : memref<!tpu.dma_semaphore, #tpu.memory_space<semaphore_mem>>) src(%dma_wait3A_53 : memref<32x512xf32, #tpu.memory_space<vmem>>) dst(%dma_wait3A_49 : memref<32x512xf32, #tpu.memory_space<hbm>>)
    %dma_wait3A_54 = arith.constant 3 : i32
    %dma_wait3A_55 = arith.constant 3 : i32
    %dma_wait3A_56 = arith.constant 0 : i32
    %dma_wait3A_57 = arith.constant 0 : i32
    %dma_wait3A_58 = tpu.memref_slice %arg7[%dma_wait3A_54, %dma_wait3A_56, %dma_wait3A_57] : memref<4x32x512xf32, #tpu.memory_space<vmem>> -> memref<1x32x512xf32, #tpu.memory_space<vmem>>
    %dma_wait3A_59 = tpu.memref_squeeze %dma_wait3A_58 : memref<1x32x512xf32, #tpu.memory_space<vmem>> -> memref<32x512xf32, #tpu.memory_space<vmem>>
    %dma_wait3A_60 = arith.constant 0 : i32
    %dma_wait3A_61 = tpu.memref_slice %arg4[%mul3A_2, %dma_wait3A_60] : memref<16384x512xf32, #tpu.memory_space<hbm>> -> memref<32x512xf32, #tpu.memory_space<hbm>>
    %dma_wait3A_62 = tpu.memref_slice %arg8[%dma_wait3A_55] : memref<4x!tpu.dma_semaphore, #tpu.memory_space<semaphore_mem>> -> memref<1x!tpu.dma_semaphore, #tpu.memory_space<semaphore_mem>>
    %dma_wait3A_63 = tpu.memref_squeeze %dma_wait3A_62 : memref<1x!tpu.dma_semaphore, #tpu.memory_space<semaphore_mem>> -> memref<!tpu.dma_semaphore, #tpu.memory_space<semaphore_mem>>
    %dma_wait3A_64 = arith.constant 0 : i32
    %dma_wait3A_65 = tpu.memref_slice %arg4[%mul3A_2, %dma_wait3A_64] : memref<16384x512xf32, #tpu.memory_space<hbm>> -> memref<32x512xf32, #tpu.memory_space<hbm>>
    %dma_wait3A_66 = arith.constant 0 : i32
    %dma_wait3A_67 = arith.constant 0 : i32
    %dma_wait3A_68 = tpu.memref_slice %arg7[%dma_wait3A_54, %dma_wait3A_66, %dma_wait3A_67] : memref<4x32x512xf32, #tpu.memory_space<vmem>> -> memref<1x32x512xf32, #tpu.memory_space<vmem>>
    %dma_wait3A_69 = tpu.memref_squeeze %dma_wait3A_68 : memref<1x32x512xf32, #tpu.memory_space<vmem>> -> memref<32x512xf32, #tpu.memory_space<vmem>>
    tpu.wait_dma2 semaphore(%dma_wait3A_63 : memref<!tpu.dma_semaphore, #tpu.memory_space<semaphore_mem>>) src(%dma_wait3A_69 : memref<32x512xf32, #tpu.memory_space<vmem>>) dst(%dma_wait3A_65 : memref<32x512xf32, #tpu.memory_space<hbm>>)
    return
  }
}

</mosaic_0001>

<sc_bundles>
// kernel: kernel.3.cloned.1.call-start
scs
__scs_entry_jumppad:
0x0: {  	(pc) =	sbr.rel $0x88, $3  }
0x1: {  	(tag) =	ssettag $0x0;
	lr =	simm.s32 $0x1  }
0x2: {  	[smem:$0x3F9F] =	sst lr;
	_ =	strace $0xD0000000  }
0x3: {  	_ = 	snop  }
0x4: {  	_ = 	snop  }
0x5: {  	_ = 	snop  }
0x6: {  	_ = 	snop  }
0x7: {  	_ = 	snop  }
__scs_overlays_trampoline_lowered:
0x8: {  	[smem:$0x3FAE] =	sst s0  }
0x9: {  	[smem:$0x3FAF] =	sst s1  }
0xa: {  	[smem:$0x3FB0] =	sst s2  }
0xb: {  	[smem:$0x3FB1] =	sst s3  }
0xc: {  	[smem:$0x3FB2] =	sst s4  }
0xd: {  	[smem:$0x3FB3] =	sst s5  }
0xe: {  	[smem:$0x3FB4] =	sst s6  }
0xf: {  	[smem:$0x3FB5] =	sst s7  }
0x10: {  	[smem:$0x3FB6] =	sst s8  }
0x11: {  	[smem:$0x3FB7] =	sst s9;
	s0 =	simm.s32 @!p0 $0x0  }
0x12: {  	s1 =	sld [smem:$0x3F9D];
	s0 =	simm.s32 @p0 $0x1  }
0x13: {  	[smem:$0x3FB8] =	sst s0;
	s0 =	simm.s32 @!p1 $0x0  }
0x14: {  	s2 =	sld [smem:$0x3F9C];
	s0 =	simm.s32 @p1 $0x1  }
0x15: {  	[smem:$0x3FB9] =	sst s0;
	s0 =	simm.s32 @!p2 $0x0  }
0x16: {  	s3 =	sld [smem:$0x3FDB];
	s0 =	simm.s32 @p2 $0x1  }
0x17: {  	s4 =	simm.s32 $0x1BF5;
	[smem:$0x3FBB] =	sst s0  }
0x18: {  	s0 =	sld [smem:$0x3F9E];
	_ =	swait.ge [sflag:s4], $0x0  }
0x19: {  	s7 =	sld [smem:$0x3F9F]  }
0x1a: {  	s8 =	sadd.s32 $0xFFFFE003, lr  }
0x1b: {  	s9 =	sadd.s32 $0xFFFFFEF7, lr;
	s5 =	simm.s32 $0xFFFFFFFF;
	p2 =	slt.u32 s8, $0xFFFFF086  }
0x1c: {  	p1 =	slt.u32 s9, $0xF7A;
	s5 =	simm.s32 @!p2 $0x0  }
0x1d: {  	s5 =	simm.s32 @p1 $0x1;
	p0 =	seq.s32 s7, s2  }
0x1e: {  	s7 =	smul.u32 @!p0 $0xF7A, s2;
	p2 =	seq.s32 @!p0 s5, $0x0  }
0x1f: {  	s9 =	smul.u32 $0xF7A, s1;
	s8 =	simm.s32 @!p0 $0x1BF5;
	p2 =	por !p2, p0  }
0x20: {  	[sflag:s8] =	ssyncset.s32 @!p0 $0xFFFFF086;
	s6 =	sadd.s32 @!p0 s3, s7;
	s7 =	simm.s32 @!p0 $0x108  }
0x21: {  	s3 =	sadd.s32 s3, s9;
	s6 =	sadd.s32 @!p0 $0x88, s6;
	s7 =	simm.s32 @p2 $0x1082  }
0x22: {  	[simem:s7], [sflag:s8] =	dma.local @!p0 [hbm:s6], $0xF7A  }
0x23: {  	s9 =	sor.u32 $0xD0000000, s2;
	s6 =	simm.s32 $0x108;
	_ =	swait.ge @!p0 [sflag:s8], $0x0  }
0x24: {  	s3 =	sadd.s32 $0x88, s3;
	s6 =	simm.s32 @!p1 $0x1082;
	[sflag:s4] =	ssyncset.s32 $0xFFFFF086  }
0x25: {  	[simem:s6], [sflag:s4] =	dma.local [hbm:s3], $0xF7A  }
0x26: {  	[smem:$0x3F9F] =	sst s1;
	(tag) =	ssettag s2;
	_ =	strace s9  }
0x27: {  	s1 =	sld [smem:$0x3FAF]  }
0x28: {  	s2 =	sld [smem:$0x3FB0]  }
0x29: {  	s4 =	sld [smem:$0x3FB2]  }
0x2a: {  	p0 =	seq.s32 s5, $0x0;
	s5 =	sld [smem:$0x3FB3]  }
0x2b: {  	s6 =	sld [smem:$0x3FB4]  }
0x2c: {  	s7 =	sld [smem:$0x3FB5]  }
0x2d: {  	s3 =	simm.s32 $0x108;
	s8 =	sld [smem:$0x3FB6]  }
0x2e: {  	s3 =	simm.s32 @!p0 $0x1082;
	s9 =	sld [smem:$0x3FB7]  }
0x2f: {  	lr =	sadd.s32 s0, s3;
	s0 =	sld [smem:$0x3FAE]  }
0x30: {  	s3 =	sld [smem:$0x3FB1]  }
0x31: {  	[smem:$0x3FBA] =	sst s10  }
0x32: {  	s10 =	sld [smem:$0x3FB8];
	_ =	sdelay $0x3  }
0x33: {  	p0 =	seq.s32 s10, $0x1;
	s10 =	sld [smem:$0x3FBA];
	_ =	sdelay $0x3  }
0x34: {  	[smem:$0x3FBA] =	sst s10  }
0x35: {  	s10 =	sld [smem:$0x3FB9];
	_ =	sdelay $0x3  }
0x36: {  	p1 =	seq.s32 s10, $0x1;
	s10 =	sld [smem:$0x3FBA];
	_ =	sdelay $0x3  }
0x37: {  	[smem:$0x3FBA] =	sst s10  }
0x38: {  	s10 =	sld [smem:$0x3FBB]  }
0x39: {  	_ = 	snop;
	(pc) =	sbr.ind lr, $3  }
0x3a: {  	_ = 	snop  }
0x3b: {  	_ = 	snop  }
0x3c: {  	p2 =	seq.s32 s10, $0x1;
	s10 =	sld [smem:$0x3FBA]  }
0x3d: {  	_ =	shalt  }
0x3e: {  	_ =	shalt  }
0x3f: {  	_ =	shalt  }
0x40: {  	_ =	shalt  }
0x41: {  	_ =	shalt  }
0x42: {  	_ =	shalt  }
0x43: {  	_ =	shalt  }
0x44: {  	_ =	shalt  }
0x45: {  	_ =	shalt  }
0x46: {  	_ =	shalt  }
0x47: {  	_ =	shalt  }
0x48: {  	_ =	shalt  }
0x49: {  	_ =	shalt  }
0x4a: {  	_ =	shalt  }
0x4b: {  	_ =	shalt  }
0x4c: {  	_ =	shalt  }
0x4d: {  	_ =	shalt  }
0x4e: {  	_ =	shalt  }
0x4f: {  	_ =	shalt  }
0x50: {  	_ =	shalt  }
0x51: {  	_ =	shalt  }
0x52: {  	_ =	shalt  }
0x53: {  	_ =	shalt  }
0x54: {  	_ =	shalt  }
0x55: {  	_ =	shalt  }
0x56: {  	_ =	shalt  }
0x57: {  	_ =	shalt  }
0x58: {  	_ =	shalt  }
0x59: {  	_ =	shalt  }
0x5a: {  	_ =	shalt  }
0x5b: {  	_ =	shalt  }
0x5c: {  	_ =	shalt  }
0x5d: {  	_ =	shalt  }
0x5e: {  	_ =	shalt  }
0x5f: {  	_ =	shalt  }
0x60: {  	_ =	shalt  }
0x61: {  	_ =	shalt  }
0x62: {  	_ =	shalt  }
0x63: {  	_ =	shalt  }
0x64: {  	_ =	shalt  }
0x65: {  	_ =	shalt  }
0x66: {  	_ =	shalt  }
0x67: {  	_ =	shalt  }
0x68: {  	_ =	shalt  }
0x69: {  	_ =	shalt  }
0x6a: {  	_ =	shalt  }
0x6b: {  	_ =	shalt  }
0x6c: {  	_ =	shalt  }
0x6d: {  	_ =	shalt  }
0x6e: {  	_ =	shalt  }
0x6f: {  	_ =	shalt  }
0x70: {  	_ =	shalt  }
0x71: {  	_ =	shalt  }
0x72: {  	_ =	shalt  }
0x73: {  	_ =	shalt  }
0x74: {  	_ =	shalt  }
0x75: {  	_ =	shalt  }
0x76: {  	_ =	shalt  }
0x77: {  	_ =	shalt  }
0x78: {  	_ =	shalt  }
0x79: {  	_ =	shalt  }
0x7a: {  	_ =	shalt  }
0x7b: {  	_ =	shalt  }
0x7c: {  	_ =	shalt  }
0x7d: {  	_ =	shalt  }
0x7e: {  	_ =	shalt  }
0x7f: {  	_ =	shalt  }
0x80: {  	_ =	shalt  }
0x81: {  	_ =	shalt  }
0x82: {  	_ =	shalt  }
0x83: {  	_ =	shalt  }
0x84: {  	_ =	shalt  }
0x85: {  	_ =	shalt  }
0x86: {  	_ =	shalt  }
0x87: {  	_ =	shalt  }
.Lfunc_end0:
.L_simem_size_0:
called_computation_lowered:
.L_overlay_start_0:
0x88: {  	s2 =	sld [smem:$0x3FD9]  }
0x89: {  	s3 =	sld [smem:$0x3FFE];
	_ =	sdelay $0x1  }
0x8a: {  	s1 =	srdreg.scid  }
0x8b: {  	s0 =	sand.u32 $0x1, s1  }
0x8c: {  	s18 =	sshll.u32 s0, $0xA;
	s2 =	sadd.s32 s3, s2  }
0x8d: {  	s2 =	sadd.s32 s2, s18  }
0x8e: {  	[smem:$0x3FC6] =	sst s2  }
0x8f: {  	_ = 	snop  }
0x90: {  	s2 =	sld [smem:$0x3FC9]  }
0x91: {  	s19 =	sld [smem:$0x3FC8]  }
0x92: {  	s4 =	sld [smem:$0x3FD0];
	(tm) =	ssettm $0x1  }
0x93: {  	s5 =	sld [smem:$0x3FFB];
	_ =	sdelay $0x3  }
0x94: {  	_ =	strace s5  }
0x95: {  	s5 =	sld [smem:$0x3FFC];
	_ =	sdelay $0x3  }
0x96: {  	_ =	strace s5  }
0x97: {  	s5 =	sld [smem:$0x3FFD];
	_ =	sdelay $0x3  }
0x98: {  	_ =	strace s5  }
0x99: {  	_ =	strace $0x8FFFFFFF  }
0x9a: {  	s20 =	sld [smem:$0x3FDB];
	_ =	sdelay $0x1  }
0x9b: {  	s6 =	simm.s32 $_scs_section_size  }
0x9c: {  	s7 =	simm.s32 $_size__tile_overlayer_lowered;
	s8 =	simm.s32 $_tile_overlayer_lowered  }
0x9d: {  	s23 =	simm.s32 $0x1BFF;
	s22 =	sshll.u32 s8, $0x1;
	s5 =	sadd.s32 s6, s20  }
0x9e: {  	s9 =	simm.s32 $0x0;
	s21 =	sshll.u32 s7, $0x1;
	s7 =	sadd.s32 s22, s5  }
0x9f: {  	[timem:s9], [sflag:s23] =	dma.local [hbm:s7], s21  }
0xa0: {  	_ =	swait.ge [sflag:s23], s21  }
0xa1: {  	s6 =	ssub.s32 $0x0, s21;
	[sflag:s23] =	ssyncset.done $0x0  }
0xa2: {  	[sflag:s23] =	ssyncadd.s32 s6;
	_ =	sdelay $0x1  }
0xa3: {  	s24 =	simm.s32 $0x1B8B  }
0xa4: {  	_ =	swait.ge [sflag:s24], $0x1  }
0xa5: {  	[sflag:s24] =	ssyncset.done $0x0  }
0xa6: {  	s25 =	simm.s32 $0x1B8E;
	[sflag:s24] =	ssyncadd.s32 $0xFFFFFFFF  }
0xa7: {  	s26 =	simm.s32 $execute0_lowered;
	[smem:$0x3FD2] =	sst s25  }
0xa8: {  	s6 =	sshll.u32 s26, $0x1;
	_ =	strace $0x80000046;
	[dreg:$0x1] =	wrdreg $0xFFFFFFFF  }
0xa9: {  	s28 =	simm.s32 $_size_execute0_lowered;
	s5 =	sadd.s32 s5, s6;
	[dreg:$0x0] =	wrdreg $0x0  }
0xaa: {  	s6 =	sshll.u32 s28, $0x1;
	[dreg:$0x2] =	wrdreg s5  }
0xab: {  	[dreg:$0x3] =	wrdreg s6  }
0xac: {  	[dreg:$0x4] =	wrdreg $0xC0  }
0xad: {  	_ =	task [dreg:s9], $0x5FFFF  }
0xae: {  	[dreg:$0x1] =	wrdreg $0xFFFFFFFF  }
0xaf: {  	[dreg:$0x0] =	wrdreg $0x60  }
0xb0: {  	[dreg:$0x2] =	wrdreg s2  }
0xb1: {  	[dreg:$0x3] =	wrdreg s19  }
0xb2: {  	[dreg:$0x4] =	wrdreg s4  }
0xb3: {  	[dreg:$0x5] =	wrdreg $0x9  }
0xb4: {  	_ =	task.clear_ibuf [dreg:s9], $0x6FFFF;
	_ =	strace $0x90000046  }
0xb5: {  	s29 =	simm.s32 $0x9;
	_ =	strace $0x80000048  }
0xb6: {  	_ =	swait.ge [sflag:s29], $0x1  }
0xb7: {  	[sflag:s29] =	ssyncadd.s32 $0xFFFFFFFF  }
0xb8: {  	_ =	strace $0x90000048  }
0xb9: {  	_ =	sfence  }
0xba: {  	s30 =	sld [smem:$0x0];
	_ =	sdelay $0x2  }
0xbb: {  	s31 =	sshll.u32 s1, $0xD;
	s1 =	sshrl.u32 s1, $0x2  }
0xbc: {  	s3 =	sand.u32 $0x4000, s31;
	s1 =	sadd.s32 s1, s30  }
0xbd: {  	s0 =	sor.u32 s3, s0;
	s1 =	sshll.u32 s1, $0x11  }
0xbe: {  	s0 =	sor.u32 s1, s0  }
0xbf: {  	s0 =	sadd.s32 $0x8F2B, s0  }
0xc0: {  	[sflag:s0] =	ssyncadd.remote.s32 $0x1  }
0xc1: {  	_ =	sfence.sel $0xFFFF  }
0xc2: {  	[dreg:$0x0] =	wrdreg $0xFFFFFFFF;
	(pc) =	sbr.abs _section_cstart, $3  }
0xc3: {  	[dreg:$0x1] =	wrdreg $0xFFFFFFFF  }
0xc4: {  	_ =	task.clear_ibuf [dreg:s9], $0x2FFFF;
	_ =	strace $0x9FFFFFFF  }
0xc5: {  	(tm) =	ssettm $0x7FFFFFFF  }
tec
execute0_lowered:
.L_overlay_start_1:
0x0: {  	(tag) =	ssettag $0x1  }
0x1: {  	s6 =	rddreg [dreg:$0x0]  }
0x2: {  	s1 =	rddreg [dreg:$0x1]  }
0x3: {  	s3 =	rddreg [dreg:$0x2]  }
0x4: {  	s0 =	rddreg [dreg:$0x3];
	s5 =	srdreg.scid  }
0x5: {  	s4 =	simm.s32 $0x0;
	s2 =	stileid.u32;
	s10 =	simm.s32 $0x1  }
0x6: {  	v0 =	vimm.s32 $0x0;
	s11 =	simm.s32 $0x2;
	s12 =	simm.s32 $0x3;
	s13 =	simm.s32 $0x4  }
0x7: {  	v1 =	vimm.s32 $0x1;
	v2 =	vimm.s32 $0x2;
	v3 =	vimm.s32 $0x3;
	s14 =	simm.s32 $0x0;
	s5 =	sand.u32 $0x1, s5;
	s8 =	sshll.u32 s2, $0xA  }
0x8: {  	v4 =	vimm.s32 $0x4;
	v5 =	vimm.s32 $0x5;
	v6 =	vimm.s32 $0x6;
	[smem:$0x7FF] =	sst s4;
	s7 =	ssub.s32 $0x2, s5;
	s5 =	sshll.u32 s5, $0x9  }
0x9: {  	v7 =	vimm.s32 $0x7;
	v8 =	vimm.s32 $0x8;
	v9 =	vimm.s32 $0x9;
	_ =	strace $0x80000047;
	s9 =	sshrl.u32 s7, $0x1;
	s5 =	sor.u32 s5, s8  }
0xa: {  	v10 =	vimm.s32 $0xA;
	v11 =	vimm.s32 $0xB;
	v12 =	vimm.s32 $0xC;
	s7 =	ssub.s32 s7, s9;
	s8 =	sshrl.u32 s5, $0x3;
	s9 =	simm.s32 $0x200  }
0xb: {  	v13 =	vimm.s32 $0xD;
	v14 =	vimm.s32 $0xE;
	v15 =	vimm.s32 $0xF;
	s6 =	sadd.s32 s6, s8;
	s7 =	smax.u32 s7, $0x1;
	s8 =	simm.s32 $0x5  }
.LBB2_1:
0xc: {  	[tilespmem:s4], [sflag:$0x5] =	stream.linear.gather [hbm4b:s6+s4], $0x200, $0x38;
	[tilespmem:$0x10600] =	vst v63  }
0xd: {  	_ =	swait.ge [sflag:s8], $0x200  }
0xe: {  	[sflag:s8] =	ssyncset.done $0x0  }
0xf: {  	[sflag:s8] =	ssyncadd.s32 $0xFFFFFE00  }
0x10: {  	[tilespmem:s9], [sflag:$0x5] =	stream.linear.gather [hbm4b:s1+s4], $0x400, $0x38;
	[tilespmem:$0x10600] =	vst v63  }
0x11: {  	_ =	swait.ge [sflag:s8], $0x400  }
0x12: {  	[sflag:s8] =	ssyncset.done $0x0  }
0x13: {  	s15 =	simm.s32 $0x0;
	[sflag:s8] =	ssyncadd.s32 $0xFFFFFC00  }
.LBB2_2:
0x14: {  	s16 =	sand.u32 $0x3, s15;
	p0 =	slt.u32 s15, $0x4  }
0x15: {  	s17 =	sadd.s32 @!p0 $0x1, s16  }
0x16: {  	_ =	swait.ge @!p0 [sflag:s17], $0x4000  }
0x17: {  	[sflag:s17] =	ssyncset.done @!p0 $0x0  }
0x18: {  	s19 =	sshll.u32 s15, $0x5;
	[sflag:s17] =	ssyncadd.s32 @!p0 $0xFFFFC000  }
0x19: {  	v16 =	vld [tilespmem:s19+$0x0];
	_ =	sdelay $0x4  }
0x1a: {  	v23 =	vcvt.s32.f32 v16;
	_ =	sdelay $0x1  }
0x1b: {  	v24 =	vperm.xlane v23, v0  }
0x1c: {  	s20 =	simm.s32 $0x0;
	v25 =	vperm.xlane v23, v1;
	v26 =	vperm.xlane v23, v2  }
0x1d: {  	s21 =	sand.u32 $0x7FFFFC00, s20;
	v28 =	vperm.xlane v23, v3;
	v29 =	vperm.xlane v23, v4  }
0x1e: {  	s18 =	sand.u32 $0x60, s20;
	s29 =	sshrl.u32 s21, $0x2;
	v30 =	vperm.xlane v23, v5;
	v27 =	vperm.xlane v23, v6  }
0x1f: {  	s23 =	sor.u32 $0x10, s18;
	s17 =	sadd.s32 $0x200, s29;
	v21 =	vperm.xlane v23, v7;
	v20 =	vperm.xlane v23, v8  }
0x20: {  	s22 =	sor.u32 s23, s17;
	v19 =	vperm.xlane v23, v9;
	v16 =	vperm.xlane v23, v10;
	v38 =	vsub.f32 $1.000000000e+00, v24  }
0x21: {  	s17 =	sor.u32 s18, s17;
	v43 =	vld [tilespmem:s22+$0x80];
	v17 =	vperm.xlane v23, v11;
	v39 =	vsub.f32 $1.000000000e+00, v25;
	v42 =	vsub.f32 $1.000000000e+00, v26  }
0x22: {  	v51 =	vld [tilespmem:s17+$0x80];
	v18 =	vperm.xlane v23, v12;
	v44 =	vsub.f32 $1.000000000e+00, v28;
	v46 =	vsub.f32 $1.000000000e+00, v29  }
0x23: {  	v31 =	vld [tilespmem:s22+$0x0];
	v48 =	vperm.xlane v23, v15;
	v47 =	vsub.f32 $1.000000000e+00, v30;
	v45 =	vsub.f32 $1.000000000e+00, v27  }
0x24: {  	v50 =	vld [tilespmem:s17+$0x0];
	v22 =	vperm.xlane v23, v13;
	v41 =	vsub.f32 $1.000000000e+00, v21;
	v40 =	vsub.f32 $1.000000000e+00, v20  }
0x25: {  	v23 =	vperm.xlane v23, v14;
	v37 =	vsub.f32 $1.000000000e+00, v19;
	v36 =	vsub.f32 $1.000000000e+00, v16  }
0x26: {  	v49 =	vsub.f32 $1.000000000e+00, v48;
	v35 =	vsub.f32 $1.000000000e+00, v17;
	v52 =	vmul.f32 v43, v48  }
0x27: {  	s30 =	sshll.u32 s16, $0xE;
	v32 =	vsub.f32 $1.000000000e+00, v18;
	v58 =	vmul.f32 v51, v24;
	v59 =	vmul.f32 v51, v25  }
0x28: {  	s17 =	sor.u32 $0x600, s30;
	v33 =	vsub.f32 $1.000000000e+00, v22;
	v53 =	vmul.f32 v31, v38;
	v55 =	vmul.f32 v31, v49  }
0x29: {  	s24 =	sadd.s32 s21, s17;
	v34 =	vsub.f32 $1.000000000e+00, v23;
	v54 =	vmul.f32 v31, v39;
	v56 =	vmul.f32 v50, v38  }
0x2a: {  	s31 =	sadd.s32 $0x1000, s24;
	v57 =	vmul.f32 v50, v39;
	v60 =	vmul.f32 v50, v42;
	v52 =	vadd.f32 v52, v55  }
0x2b: {  	s21 =	sadd.s32 s23, s31;
	v61 =	vmul.f32 v50, v44;
	v55 =	vmul.f32 v51, v26;
	v56 =	vadd.f32 v58, v56  }
0x2c: {  	s25 =	sadd.s32 s18, s24;
	v58 =	vmul.f32 v51, v28;
	[tilespmem:s21+$0x380] =	vst v52;
	v52 =	vadd.f32 v59, v57;
	v57 =	vmul.f32 v51, v29  }
0x2d: {  	v59 =	vmul.f32 v50, v46;
	[tilespmem:s25+$0x0] =	vst v56;
	v55 =	vadd.f32 v55, v60;
	v56 =	vmul.f32 v51, v30  }
0x2e: {  	v60 =	vmul.f32 v50, v47;
	[tilespmem:s25+$0x80] =	vst v52;
	v52 =	vadd.f32 v58, v61;
	v58 =	vmul.f32 v51, v27  }
0x2f: {  	v61 =	vmul.f32 v50, v45;
	[tilespmem:s25+$0x100] =	vst v55;
	v55 =	vadd.f32 v57, v59;
	v57 =	vmul.f32 v51, v21  }
0x30: {  	v59 =	vmul.f32 v50, v41;
	[tilespmem:s25+$0x180] =	vst v52;
	v52 =	vadd.f32 v56, v60;
	v56 =	vmul.f32 v51, v20  }
0x31: {  	v60 =	vmul.f32 v50, v40;
	[tilespmem:s25+$0x200] =	vst v55;
	v55 =	vadd.f32 v58, v61;
	v58 =	vmul.f32 v51, v19  }
0x32: {  	v61 =	vmul.f32 v50, v37;
	[tilespmem:s25+$0x280] =	vst v52;
	v52 =	vadd.f32 v57, v59;
	v57 =	vmul.f32 v51, v16  }
0x33: {  	v59 =	vmul.f32 v50, v36;
	[tilespmem:s25+$0x300] =	vst v55;
	v55 =	vadd.f32 v56, v60;
	v56 =	vmul.f32 v51, v17  }
0x34: {  	s26 =	sadd.s32 s18, s31;
	v60 =	vmul.f32 v50, v35;
	[tilespmem:s25+$0x380] =	vst v52;
	v52 =	vadd.f32 v58, v61;
	v58 =	vmul.f32 v51, v18  }
0x35: {  	v61 =	vmul.f32 v50, v32;
	[tilespmem:s26+$0x0] =	vst v55;
	v55 =	vadd.f32 v57, v59;
	v57 =	vmul.f32 v51, v22  }
0x36: {  	v59 =	vmul.f32 v50, v33;
	[tilespmem:s26+$0x80] =	vst v52;
	v52 =	vadd.f32 v56, v60;
	v56 =	vmul.f32 v51, v23  }
0x37: {  	v60 =	vmul.f32 v50, v34;
	v51 =	vmul.f32 v51, v48  }
0x38: {  	v50 =	vmul.f32 v50, v49;
	[tilespmem:s26+$0x100] =	vst v55;
	v55 =	vadd.f32 v58, v61;
	v58 =	vmul.f32 v43, v24  }
0x39: {  	v61 =	vmul.f32 v43, v25;
	[tilespmem:s26+$0x180] =	vst v52;
	v52 =	vadd.f32 v57, v59;
	v63 =	vadd.f32 v56, v60  }
0x3a: {  	v56 =	vmul.f32 v43, v26;
	v57 =	vmul.f32 v31, v42;
	v51 =	vadd.f32 v51, v50;
	[tilespmem:s26+$0x200] =	vst v55  }
0x3b: {  	v50 =	vmul.f32 v43, v29;
	v55 =	vmul.f32 v31, v44;
	v59 =	vadd.f32 v58, v53;
	[tilespmem:s26+$0x280] =	vst v52  }
0x3c: {  	s22 =	simm.s32 $0x0;
	v53 =	vmul.f32 v31, v46;
	v58 =	vadd.f32 v61, v54;
	v54 =	vmul.f32 v31, v47;
	[tilespmem:s26+$0x300] =	vst v63  }
0x3d: {  	s18 =	sadd.s32 s5, s19;
	s23 =	sadd.s32 s23, s24;
	s24 =	simm.s32 $0x100;
	v52 =	vmul.f32 v43, v28;
	[tilespmem:s26+$0x380] =	vst v51;
	v51 =	vmul.f32 v43, v30  }
.LBB2_3:
0x3e: {  	v56 =	vadd.f32 v56, v57  }
0x3f: {  	s26 =	sand.u32 $0x7FFFFC00, s24;
	[tilespmem:s23+$0x0] =	vst v59;
	v57 =	vmul.f32 v43, v27;
	v59 =	vmul.f32 v31, v45;
	s20 =	sadd.s32 $0x20, s20;
	v60 =	vmovc v31;
	v61 =	vmov v43  }
0x40: {  	s22 =	sadd.s32 $0x2, s22;
	v31 =	vadd.f32 v52, v55;
	s25 =	sand.u32 $0x60, s20;
	s28 =	sshrl.u32 s26, $0x2;
	[tilespmem:s23+$0x80] =	vst v58;
	v52 =	vmul.f32 v61, v21;
	v55 =	vmul.f32 v60, v41  }
0x41: {  	v43 =	vadd.f32 v50, v53;
	p0 =	slt.u32 s22, $0x1E;
	v50 =	vmul.f32 v61, v20;
	v53 =	vmul.f32 v60, v40;
	s29 =	sadd.s32 $0x200, s28;
	s28 =	sor.u32 $0x10, s25;
	[tilespmem:s23+$0x100] =	vst v56  }
0x42: {  	v51 =	vadd.f32 v51, v54;
	v54 =	vmul.f32 v61, v19;
	v56 =	vmul.f32 v60, v37;
	s30 =	sor.u32 s25, s29;
	s29 =	sor.u32 s28, s29;
	[tilespmem:s23+$0x180] =	vst v31  }
0x43: {  	v58 =	vmul.f32 v61, v16;
	v57 =	vadd.f32 v57, v59;
	v59 =	vmul.f32 v60, v36;
	v31 =	vld [tilespmem:s29+$0x0];
	[tilespmem:s23+$0x200] =	vst v43  }
0x44: {  	v43 =	vld [tilespmem:s29+$0x80];
	[tilespmem:s23+$0x280] =	vst v51;
	v51 =	vadd.f32 v52, v55;
	v52 =	vmul.f32 v61, v17;
	v55 =	vmul.f32 v60, v35  }
0x45: {  	v50 =	vadd.f32 v50, v53;
	v53 =	vmul.f32 v61, v18;
	v62 =	vld [tilespmem:s30+$0x0];
	[tilespmem:s23+$0x300] =	vst v57;
	v57 =	vmul.f32 v60, v32  }
0x46: {  	v63 =	vld [tilespmem:s30+$0x80];
	[tilespmem:s23+$0x380] =	vst v51;
	v51 =	vadd.f32 v54, v56;
	v54 =	vmul.f32 v61, v22;
	v56 =	vmul.f32 v60, v33  }
0x47: {  	[tilespmem:s21+$0x0] =	vst v50;
	v50 =	vadd.f32 v58, v59;
	v58 =	vmul.f32 v61, v23;
	v59 =	vmul.f32 v60, v34  }
0x48: {  	v60 =	vmul.f32 v31, v38;
	v61 =	vmul.f32 v31, v39;
	[tilespmem:s21+$0x80] =	vst v51;
	v51 =	vadd.f32 v52, v55  }
0x49: {  	v55 =	vmul.f32 v31, v49;
	v52 =	vmul.f32 v43, v48;
	[tilespmem:s21+$0x100] =	vst v50;
	v50 =	vadd.f32 v53, v57  }
0x4a: {  	s23 =	sadd.s32 s26, s17;
	v53 =	vmul.f32 v62, v38;
	v57 =	vmul.f32 v62, v39;
	[tilespmem:s21+$0x180] =	vst v51;
	v51 =	vadd.f32 v54, v56  }
0x4b: {  	s26 =	sadd.s32 s25, s23;
	s29 =	sadd.s32 $0x1000, s23;
	s23 =	sadd.s32 s28, s23;
	v54 =	vmul.f32 v63, v24;
	v56 =	vmul.f32 v63, v25;
	v52 =	vadd.f32 v52, v55;
	[tilespmem:s21+$0x200] =	vst v50  }
0x4c: {  	s25 =	sadd.s32 s25, s29;
	s28 =	sadd.s32 s28, s29;
	v50 =	vmul.f32 v63, v26;
	v55 =	vmul.f32 v62, v42;
	[tilespmem:s21+$0x280] =	vst v51;
	v51 =	vadd.f32 v58, v59  }
0x4d: {  	v58 =	vmul.f32 v62, v44;
	v53 =	vadd.f32 v54, v53;
	v54 =	vmul.f32 v63, v28;
	[tilespmem:s28+$0x380] =	vst v52  }
0x4e: {  	v52 =	vadd.f32 v56, v57;
	v56 =	vmul.f32 v63, v29;
	v57 =	vmul.f32 v62, v46;
	[tilespmem:s21+$0x300] =	vst v51;
	s21 =	smov.u32 s28  }
0x4f: {  	v50 =	vadd.f32 v50, v55;
	v51 =	vmul.f32 v63, v30;
	[tilespmem:s26+$0x0] =	vst v53;
	v53 =	vmul.f32 v62, v47  }
0x50: {  	v55 =	vmul.f32 v62, v45;
	[tilespmem:s26+$0x80] =	vst v52;
	v52 =	vadd.f32 v54, v58;
	v54 =	vmul.f32 v63, v27  }
0x51: {  	[tilespmem:s26+$0x100] =	vst v50;
	v50 =	vadd.f32 v56, v57;
	v56 =	vmul.f32 v63, v21;
	v57 =	vmul.f32 v62, v41  }
0x52: {  	v51 =	vadd.f32 v51, v53;
	v53 =	vmul.f32 v62, v40;
	[tilespmem:s26+$0x180] =	vst v52;
	v52 =	vmul.f32 v63, v20  }
0x53: {  	[tilespmem:s26+$0x200] =	vst v50;
	v50 =	vadd.f32 v54, v55;
	v54 =	vmul.f32 v63, v19;
	v55 =	vmul.f32 v62, v37  }
0x54: {  	[tilespmem:s26+$0x280] =	vst v51;
	v51 =	vadd.f32 v56, v57;
	v56 =	vmul.f32 v63, v16;
	v57 =	vmul.f32 v62, v36  }
0x55: {  	[tilespmem:s26+$0x300] =	vst v50;
	v50 =	vadd.f32 v52, v53;
	v52 =	vmul.f32 v63, v17;
	v53 =	vmul.f32 v62, v35  }
0x56: {  	[tilespmem:s26+$0x380] =	vst v51;
	v51 =	vadd.f32 v54, v55;
	v54 =	vmul.f32 v63, v18;
	v55 =	vmul.f32 v62, v32  }
0x57: {  	[tilespmem:s25+$0x0] =	vst v50;
	v50 =	vadd.f32 v56, v57;
	v56 =	vmul.f32 v63, v22;
	v57 =	vmul.f32 v62, v33  }
0x58: {  	[tilespmem:s25+$0x80] =	vst v51;
	v51 =	vadd.f32 v52, v53;
	v52 =	vmul.f32 v63, v23;
	v53 =	vmul.f32 v62, v34  }
0x59: {  	[tilespmem:s25+$0x100] =	vst v50;
	v50 =	vadd.f32 v54, v55;
	v54 =	vmul.f32 v63, v48;
	v55 =	vmul.f32 v62, v49  }
.Ltmp0:
0x5a: {  	v58 =	vmul.f32 v43, v24;
	v62 =	vmul.f32 v43, v25;
	[tilespmem:s25+$0x180] =	vst v51;
	v51 =	vadd.f32 v56, v57;
	(pc) =	sbr.rel @p0 .LBB2_3-.Ltmp0, $4  }
0x5b: {  	v56 =	vmul.f32 v43, v26;
	v57 =	vmul.f32 v31, v42;
	[tilespmem:s25+$0x200] =	vst v50;
	v50 =	vadd.f32 v52, v53  }
0x5c: {  	v52 =	vmul.f32 v43, v28;
	[tilespmem:s25+$0x280] =	vst v51;
	v51 =	vadd.f32 v54, v55;
	v55 =	vmul.f32 v31, v44  }
0x5d: {  	v59 =	vadd.f32 v58, v60;
	v53 =	vmul.f32 v31, v46;
	[tilespmem:s25+$0x300] =	vst v50;
	v50 =	vmul.f32 v43, v29  }
0x5e: {  	s24 =	sadd.s32 $0x100, s24;
	v58 =	vadd.f32 v62, v61;
	v54 =	vmul.f32 v31, v47;
	[tilespmem:s25+$0x380] =	vst v51;
	v51 =	vmul.f32 v43, v30  }
0x5f: {  	[tilespmem:s23+$0x0] =	vst v59;
	v24 =	vadd.f32 v56, v57  }
0x60: {  	v25 =	vadd.f32 v52, v55;
	[tilespmem:s23+$0x80] =	vst v58  }
0x61: {  	v21 =	vmul.f32 v43, v21;
	v28 =	vmul.f32 v31, v41;
	[tilespmem:s23+$0x100] =	vst v24;
	v24 =	vadd.f32 v50, v53  }
0x62: {  	v26 =	vmul.f32 v43, v27;
	v27 =	vmul.f32 v31, v45;
	[tilespmem:s23+$0x180] =	vst v25;
	v25 =	vadd.f32 v51, v54  }
0x63: {  	v20 =	vmul.f32 v43, v20;
	v29 =	vmul.f32 v31, v40;
	v21 =	vadd.f32 v21, v28;
	[tilespmem:s23+$0x200] =	vst v24  }
0x64: {  	v19 =	vmul.f32 v43, v19;
	v24 =	vadd.f32 v26, v27;
	v26 =	vmul.f32 v31, v37;
	[tilespmem:s23+$0x280] =	vst v25  }
0x65: {  	v16 =	vmul.f32 v43, v16;
	v20 =	vadd.f32 v20, v29;
	v25 =	vmul.f32 v31, v36;
	[tilespmem:s23+$0x380] =	vst v21  }
0x66: {  	v17 =	vmul.f32 v43, v17;
	[tilespmem:s23+$0x300] =	vst v24;
	v24 =	vmul.f32 v31, v35;
	v19 =	vadd.f32 v19, v26  }
0x67: {  	v18 =	vmul.f32 v43, v18;
	v21 =	vmul.f32 v31, v32;
	v16 =	vadd.f32 v16, v25;
	[tilespmem:s21+$0x0] =	vst v20  }
0x68: {  	v20 =	vmul.f32 v43, v22;
	v22 =	vmul.f32 v31, v33;
	[tilespmem:s21+$0x80] =	vst v19;
	v17 =	vadd.f32 v17, v24  }
0x69: {  	v19 =	vmul.f32 v43, v23;
	v23 =	vmul.f32 v31, v34;
	[tilespmem:s21+$0x100] =	vst v16;
	v16 =	vadd.f32 v18, v21  }
0x6a: {  	[tilespmem:s21+$0x180] =	vst v17;
	v17 =	vadd.f32 v20, v22  }
0x6b: {  	[tilespmem:s21+$0x200] =	vst v16;
	v16 =	vadd.f32 v19, v23  }
0x6c: {  	[tilespmem:s21+$0x280] =	vst v17  }
0x6d: {  	[tilespmem:s21+$0x300] =	vst v16  }
0x6e: {  	v16 =	vld [tilespmem:s19+$0x10];
	_ =	sdelay $0x4  }
0x6f: {  	v23 =	vcvt.s32.f32 v16;
	_ =	sdelay $0x1  }
0x70: {  	s19 =	simm.s32 $0x0;
	v24 =	vperm.xlane v23, v0  }
0x71: {  	s20 =	sand.u32 $0x7FFFFC00, s19;
	v25 =	vperm.xlane v23, v1;
	v26 =	vperm.xlane v23, v2  }
0x72: {  	s26 =	sand.u32 $0x60, s19;
	s22 =	sshrl.u32 s20, $0x2;
	v28 =	vperm.xlane v23, v3;
	v29 =	vperm.xlane v23, v4  }
0x73: {  	s29 =	sor.u32 $0x10, s26;
	s28 =	sadd.s32 $0x200, s22;
	v30 =	vperm.xlane v23, v5;
	v27 =	vperm.xlane v23, v6  }
0x74: {  	s24 =	sor.u32 s29, s28;
	v21 =	vperm.xlane v23, v7;
	v20 =	vperm.xlane v23, v8  }
0x75: {  	s23 =	sor.u32 s26, s28;
	v43 =	vld [tilespmem:s24+$0x80];
	v19 =	vperm.xlane v23, v9;
	v16 =	vperm.xlane v23, v10;
	v38 =	vsub.f32 $1.000000000e+00, v24  }
0x76: {  	v51 =	vld [tilespmem:s23+$0x80];
	v17 =	vperm.xlane v23, v11;
	v39 =	vsub.f32 $1.000000000e+00, v25;
	v42 =	vsub.f32 $1.000000000e+00, v26  }
0x77: {  	v18 =	vperm.xlane v23, v12;
	v44 =	vsub.f32 $1.000000000e+00, v28;
	v46 =	vsub.f32 $1.000000000e+00, v29  }
0x78: {  	v32 =	vld [tilespmem:s24+$0x0];
	v48 =	vperm.xlane v23, v15;
	v47 =	vsub.f32 $1.000000000e+00, v30;
	v45 =	vsub.f32 $1.000000000e+00, v27  }
0x79: {  	v50 =	vld [tilespmem:s23+$0x0];
	v22 =	vperm.xlane v23, v13;
	v41 =	vsub.f32 $1.000000000e+00, v21;
	v40 =	vsub.f32 $1.000000000e+00, v20  }
0x7a: {  	v23 =	vperm.xlane v23, v14;
	v37 =	vsub.f32 $1.000000000e+00, v19;
	v36 =	vsub.f32 $1.000000000e+00, v16  }
0x7b: {  	v49 =	vsub.f32 $1.000000000e+00, v48;
	v61 =	vmul.f32 v43, v48;
	v58 =	vmul.f32 v51, v24  }
0x7c: {  	v35 =	vsub.f32 $1.000000000e+00, v17;
	v59 =	vmul.f32 v51, v25;
	v55 =	vmul.f32 v51, v26  }
0x7d: {  	v34 =	vsub.f32 $1.000000000e+00, v18;
	v52 =	vmul.f32 v32, v38;
	v62 =	vmul.f32 v32, v49  }
0x7e: {  	s20 =	sadd.s32 s20, s17;
	v33 =	vsub.f32 $1.000000000e+00, v22;
	v53 =	vmul.f32 v32, v39;
	v56 =	vmul.f32 v50, v38  }
0x7f: {  	s30 =	sadd.s32 $0x3000, s20;
	v57 =	vmul.f32 v50, v39;
	v60 =	vmul.f32 v50, v42;
	v54 =	vadd.f32 v61, v62  }
0x80: {  	s31 =	sadd.s32 $0x2000, s20;
	s20 =	sadd.s32 s29, s30;
	v56 =	vadd.f32 v58, v56;
	v58 =	vmul.f32 v51, v28;
	v61 =	vmul.f32 v50, v44  }
0x81: {  	s25 =	sadd.s32 s26, s31;
	v55 =	vadd.f32 v55, v60;
	v60 =	vmul.f32 v50, v47;
	[tilespmem:s20+$0x380] =	vst v54;
	v54 =	vadd.f32 v59, v57  }
0x82: {  	v31 =	vsub.f32 $1.000000000e+00, v23;
	v57 =	vmul.f32 v51, v29;
	v59 =	vmul.f32 v50, v46;
	[tilespmem:s25+$0x0] =	vst v56  }
0x83: {  	v56 =	vmul.f32 v51, v30;
	[tilespmem:s25+$0x80] =	vst v54;
	v54 =	vadd.f32 v58, v61;
	v58 =	vmul.f32 v51, v27  }
0x84: {  	[tilespmem:s25+$0x100] =	vst v55;
	v61 =	vmul.f32 v50, v45;
	v55 =	vadd.f32 v57, v59;
	v57 =	vmul.f32 v51, v21  }
0x85: {  	v59 =	vmul.f32 v50, v41;
	[tilespmem:s25+$0x180] =	vst v54;
	v54 =	vadd.f32 v56, v60;
	v56 =	vmul.f32 v51, v20  }
0x86: {  	v60 =	vmul.f32 v50, v40;
	[tilespmem:s25+$0x200] =	vst v55;
	v55 =	vadd.f32 v58, v61;
	v58 =	vmul.f32 v51, v19  }
0x87: {  	v61 =	vmul.f32 v50, v37;
	[tilespmem:s25+$0x280] =	vst v54;
	v54 =	vadd.f32 v57, v59;
	v57 =	vmul.f32 v51, v16  }
0x88: {  	v59 =	vmul.f32 v50, v36;
	[tilespmem:s25+$0x300] =	vst v55;
	v55 =	vadd.f32 v56, v60;
	v56 =	vmul.f32 v51, v17  }
0x89: {  	s24 =	sadd.s32 s26, s30;
	v60 =	vmul.f32 v50, v35;
	[tilespmem:s25+$0x380] =	vst v54;
	v54 =	vadd.f32 v58, v61;
	v58 =	vmul.f32 v51, v18  }
0x8a: {  	v61 =	vmul.f32 v50, v34;
	[tilespmem:s24+$0x0] =	vst v55;
	v55 =	vadd.f32 v57, v59;
	v57 =	vmul.f32 v51, v22  }
0x8b: {  	v59 =	vmul.f32 v50, v33;
	[tilespmem:s24+$0x80] =	vst v54;
	v54 =	vadd.f32 v56, v60;
	v56 =	vmul.f32 v51, v23  }
0x8c: {  	v60 =	vmul.f32 v50, v31;
	v51 =	vmul.f32 v51, v48  }
0x8d: {  	v50 =	vmul.f32 v50, v49;
	[tilespmem:s24+$0x100] =	vst v55;
	v55 =	vadd.f32 v58, v61;
	v58 =	vmul.f32 v43, v24  }
0x8e: {  	v61 =	vmul.f32 v43, v25;
	[tilespmem:s24+$0x180] =	vst v54;
	v54 =	vadd.f32 v57, v59;
	v63 =	vadd.f32 v56, v60  }
0x8f: {  	v56 =	vmul.f32 v43, v26;
	v57 =	vmul.f32 v32, v42;
	v51 =	vadd.f32 v51, v50;
	[tilespmem:s24+$0x200] =	vst v55  }
0x90: {  	v50 =	vmul.f32 v43, v29;
	v55 =	vmul.f32 v32, v44;
	v59 =	vadd.f32 v58, v52;
	[tilespmem:s24+$0x280] =	vst v54  }
0x91: {  	v52 =	vmul.f32 v32, v46;
	v58 =	vadd.f32 v61, v53;
	v53 =	vmul.f32 v32, v47;
	[tilespmem:s24+$0x300] =	vst v63  }
0x92: {  	s21 =	simm.s32 $0x0;
	s22 =	simm.s32 $0x100;
	s23 =	sadd.s32 s29, s31;
	v54 =	vmul.f32 v43, v28;
	[tilespmem:s24+$0x380] =	vst v51;
	v51 =	vmul.f32 v43, v30  }
.LBB2_5:
0x93: {  	v56 =	vadd.f32 v56, v57  }
0x94: {  	s26 =	sand.u32 $0x7FFFFC00, s22;
	[tilespmem:s23+$0x0] =	vst v59;
	v57 =	vmul.f32 v43, v27;
	v59 =	vmul.f32 v32, v45;
	s19 =	sadd.s32 $0x20, s19;
	v60 =	vmovc v32;
	v61 =	vmov v43  }
0x95: {  	s21 =	sadd.s32 $0x2, s21;
	v32 =	vadd.f32 v54, v55;
	s24 =	sand.u32 $0x60, s19;
	s25 =	sshrl.u32 s26, $0x2;
	[tilespmem:s23+$0x80] =	vst v58;
	v54 =	vmul.f32 v61, v21;
	v55 =	vmul.f32 v60, v41  }
0x96: {  	v43 =	vadd.f32 v50, v52;
	p0 =	slt.u32 s21, $0x1E;
	v50 =	vmul.f32 v61, v20;
	v52 =	vmul.f32 v60, v40;
	s28 =	sadd.s32 $0x200, s25;
	s25 =	sor.u32 $0x10, s24;
	[tilespmem:s23+$0x100] =	vst v56  }
0x97: {  	v51 =	vadd.f32 v51, v53;
	v53 =	vmul.f32 v61, v19;
	v56 =	vmul.f32 v60, v37;
	s29 =	sor.u32 s24, s28;
	s28 =	sor.u32 s25, s28;
	[tilespmem:s23+$0x180] =	vst v32  }
0x98: {  	v58 =	vmul.f32 v61, v16;
	v57 =	vadd.f32 v57, v59;
	v59 =	vmul.f32 v60, v36;
	v32 =	vld [tilespmem:s28+$0x0];
	[tilespmem:s23+$0x200] =	vst v43  }
0x99: {  	v43 =	vld [tilespmem:s28+$0x80];
	[tilespmem:s23+$0x280] =	vst v51;
	v51 =	vadd.f32 v54, v55;
	v54 =	vmul.f32 v61, v17;
	v55 =	vmul.f32 v60, v35  }
0x9a: {  	v50 =	vadd.f32 v50, v52;
	v52 =	vmul.f32 v61, v18;
	v62 =	vld [tilespmem:s29+$0x0];
	[tilespmem:s23+$0x300] =	vst v57;
	v57 =	vmul.f32 v60, v34  }
0x9b: {  	v63 =	vld [tilespmem:s29+$0x80];
	[tilespmem:s23+$0x380] =	vst v51;
	v51 =	vadd.f32 v53, v56;
	v53 =	vmul.f32 v61, v22;
	v56 =	vmul.f32 v60, v33  }
0x9c: {  	[tilespmem:s20+$0x0] =	vst v50;
	v50 =	vadd.f32 v58, v59;
	v58 =	vmul.f32 v61, v23;
	v59 =	vmul.f32 v60, v31  }
0x9d: {  	v60 =	vmul.f32 v32, v38;
	v61 =	vmul.f32 v32, v39;
	[tilespmem:s20+$0x80] =	vst v51;
	v51 =	vadd.f32 v54, v55  }
0x9e: {  	v55 =	vmul.f32 v32, v49;
	v54 =	vmul.f32 v43, v48;
	[tilespmem:s20+$0x100] =	vst v50;
	v50 =	vadd.f32 v52, v57  }
0x9f: {  	s23 =	sadd.s32 s26, s17;
	v52 =	vmul.f32 v62, v38;
	v57 =	vmul.f32 v62, v39;
	[tilespmem:s20+$0x180] =	vst v51;
	v51 =	vadd.f32 v53, v56  }
0xa0: {  	s26 =	sadd.s32 $0x2000, s23;
	s23 =	sadd.s32 $0x3000, s23;
	v53 =	vmul.f32 v63, v24;
	v56 =	vmul.f32 v63, v25;
	v54 =	vadd.f32 v54, v55;
	[tilespmem:s20+$0x200] =	vst v50  }
0xa1: {  	s28 =	sadd.s32 s24, s26;
	s24 =	sadd.s32 s24, s23;
	s29 =	sadd.s32 s25, s23;
	v50 =	vmul.f32 v63, v26;
	v55 =	vmul.f32 v62, v42;
	[tilespmem:s20+$0x280] =	vst v51;
	v51 =	vadd.f32 v58, v59  }
0xa2: {  	s23 =	sadd.s32 s25, s26;
	v58 =	vmul.f32 v62, v44;
	v52 =	vadd.f32 v53, v52;
	v53 =	vmul.f32 v63, v28;
	[tilespmem:s29+$0x380] =	vst v54  }
0xa3: {  	v54 =	vadd.f32 v56, v57;
	v56 =	vmul.f32 v63, v29;
	v57 =	vmul.f32 v62, v46;
	[tilespmem:s20+$0x300] =	vst v51;
	s20 =	smov.u32 s29  }
0xa4: {  	v50 =	vadd.f32 v50, v55;
	v51 =	vmul.f32 v63, v30;
	[tilespmem:s28+$0x0] =	vst v52;
	v52 =	vmul.f32 v62, v47  }
0xa5: {  	v55 =	vmul.f32 v62, v45;
	v53 =	vadd.f32 v53, v58;
	[tilespmem:s28+$0x80] =	vst v54;
	v54 =	vmul.f32 v63, v27  }
0xa6: {  	[tilespmem:s28+$0x100] =	vst v50;
	v50 =	vadd.f32 v56, v57;
	v56 =	vmul.f32 v63, v21;
	v57 =	vmul.f32 v62, v41  }
0xa7: {  	v51 =	vadd.f32 v51, v52;
	v52 =	vmul.f32 v63, v20;
	[tilespmem:s28+$0x180] =	vst v53;
	v53 =	vmul.f32 v62, v40  }
0xa8: {  	[tilespmem:s28+$0x200] =	vst v50;
	v50 =	vadd.f32 v54, v55;
	v54 =	vmul.f32 v63, v19;
	v55 =	vmul.f32 v62, v37  }
0xa9: {  	[tilespmem:s28+$0x280] =	vst v51;
	v51 =	vadd.f32 v56, v57;
	v56 =	vmul.f32 v63, v16;
	v57 =	vmul.f32 v62, v36  }
0xaa: {  	[tilespmem:s28+$0x300] =	vst v50;
	v50 =	vadd.f32 v52, v53;
	v52 =	vmul.f32 v63, v17;
	v53 =	vmul.f32 v62, v35  }
0xab: {  	[tilespmem:s28+$0x380] =	vst v51;
	v51 =	vadd.f32 v54, v55;
	v54 =	vmul.f32 v63, v18;
	v55 =	vmul.f32 v62, v34  }
0xac: {  	[tilespmem:s24+$0x0] =	vst v50;
	v50 =	vadd.f32 v56, v57;
	v56 =	vmul.f32 v63, v22;
	v57 =	vmul.f32 v62, v33  }
0xad: {  	[tilespmem:s24+$0x80] =	vst v51;
	v51 =	vadd.f32 v52, v53;
	v52 =	vmul.f32 v63, v23;
	v53 =	vmul.f32 v62, v31  }
0xae: {  	[tilespmem:s24+$0x100] =	vst v50;
	v50 =	vadd.f32 v54, v55;
	v54 =	vmul.f32 v63, v48;
	v55 =	vmul.f32 v62, v49  }
.Ltmp1:
0xaf: {  	v58 =	vmul.f32 v43, v24;
	v62 =	vmul.f32 v43, v25;
	[tilespmem:s24+$0x180] =	vst v51;
	v51 =	vadd.f32 v56, v57;
	(pc) =	sbr.rel @p0 .LBB2_5-.Ltmp1, $4  }
0xb0: {  	v56 =	vmul.f32 v43, v26;
	v57 =	vmul.f32 v32, v42;
	[tilespmem:s24+$0x200] =	vst v50;
	v50 =	vadd.f32 v52, v53  }
0xb1: {  	[tilespmem:s24+$0x280] =	vst v51;
	v51 =	vadd.f32 v54, v55;
	v54 =	vmul.f32 v43, v28;
	v55 =	vmul.f32 v32, v44  }
0xb2: {  	v59 =	vadd.f32 v58, v60;
	v52 =	vmul.f32 v32, v46;
	[tilespmem:s24+$0x300] =	vst v50;
	v50 =	vmul.f32 v43, v29  }
0xb3: {  	s22 =	sadd.s32 $0x100, s22;
	v58 =	vadd.f32 v62, v61;
	v53 =	vmul.f32 v32, v47;
	[tilespmem:s24+$0x380] =	vst v51;
	v51 =	vmul.f32 v43, v30  }
0xb4: {  	[tilespmem:s23+$0x0] =	vst v59;
	v24 =	vadd.f32 v56, v57  }
0xb5: {  	v25 =	vadd.f32 v54, v55;
	[tilespmem:s23+$0x80] =	vst v58  }
0xb6: {  	v26 =	vmul.f32 v43, v27;
	v49 =	vmul.f32 v32, v45;
	v52 =	vadd.f32 v50, v52;
	[tilespmem:s23+$0x100] =	vst v24  }
0xb7: {  	v21 =	vmul.f32 v43, v21;
	v28 =	vmul.f32 v32, v41;
	v54 =	vadd.f32 v51, v53;
	[tilespmem:s23+$0x180] =	vst v25  }
0xb8: {  	v20 =	vmul.f32 v43, v20;
	v29 =	vmul.f32 v32, v40;
	[tilespmem:s23+$0x200] =	vst v52;
	v55 =	vadd.f32 v26, v49  }
0xb9: {  	v19 =	vmul.f32 v43, v19;
	v56 =	vmul.f32 v32, v37;
	v21 =	vadd.f32 v21, v28;
	[tilespmem:s23+$0x280] =	vst v54  }
0xba: {  	v16 =	vmul.f32 v43, v16;
	v57 =	vmul.f32 v32, v36;
	v20 =	vadd.f32 v20, v29;
	[tilespmem:s23+$0x300] =	vst v55  }
0xbb: {  	v17 =	vmul.f32 v43, v17;
	v58 =	vmul.f32 v32, v35;
	v19 =	vadd.f32 v19, v56;
	[tilespmem:s23+$0x380] =	vst v21  }
0xbc: {  	v18 =	vmul.f32 v43, v18;
	v59 =	vmul.f32 v32, v34;
	v16 =	vadd.f32 v16, v57;
	[tilespmem:s20+$0x0] =	vst v20  }
0xbd: {  	v60 =	vmul.f32 v43, v22;
	v61 =	vmul.f32 v32, v33;
	s15 =	sadd.s32 $0x1, s15;
	v17 =	vadd.f32 v17, v58;
	[tilespmem:s20+$0x80] =	vst v19  }
0xbe: {  	v62 =	vmul.f32 v43, v23;
	v63 =	vmul.f32 v32, v31;
	p0 =	sne.s32 s15, $0x10;
	[tilespmem:s20+$0x100] =	vst v16;
	v16 =	vadd.f32 v18, v59  }
.Ltmp2:
0xbf: {  	[tilespmem:s20+$0x180] =	vst v17;
	v17 =	vadd.f32 v60, v61;
	(pc) =	sbr.rel @p0 .LBB2_2-.Ltmp2, $4  }
0xc0: {  	[tilespmem:s20+$0x200] =	vst v16;
	v16 =	vadd.f32 v62, v63  }
0xc1: {  	s18 =	sshll.u32 s18, $0x6;
	[tilespmem:s20+$0x280] =	vst v17  }
0xc2: {  	s16 =	sadd.s32 $0x1, s16;
	s18 =	sadd.s32 s3, s18;
	[tilespmem:s20+$0x300] =	vst v16  }
0xc3: {  	[hbm4b:s18+s4] =	stream.linear.scatter [tilespmem:s17], [sflag:s16], $0x4000, $0x38;
	[tilespmem:$0x10600] =	vst v63  }
0xc4: {  	_ =	swait.ge [sflag:s10], $0x4000  }
0xc5: {  	[sflag:s10] =	ssyncset.done $0x0  }
0xc6: {  	[sflag:s10] =	ssyncadd.s32 $0xFFFFC000  }
0xc7: {  	_ =	swait.ge [sflag:s11], $0x4000  }
0xc8: {  	[sflag:s11] =	ssyncset.done $0x0  }
0xc9: {  	s14 =	sadd.s32 $0x1, s14;
	[sflag:s11] =	ssyncadd.s32 $0xFFFFC000  }
0xca: {  	p0 =	sne.s32 s14, s7;
	_ =	swait.ge [sflag:s12], $0x4000  }
.Ltmp3:
0xcb: {  	[sflag:s12] =	ssyncset.done $0x0;
	(pc) =	sbr.rel @p0 .LBB2_1-.Ltmp3, $4  }
0xcc: {  	[sflag:s12] =	ssyncadd.s32 $0xFFFFC000  }
0xcd: {  	_ =	swait.ge [sflag:s13], $0x4000  }
0xce: {  	[sflag:s13] =	ssyncset.done $0x0  }
0xcf: {  	[sflag:s13] =	ssyncadd.s32 $0xFFFFC000  }
0xd0: {  	_ =	sfence.sel $0x180000  }
0xd1: {  	[bflag:$0x0] =	sbarrier.arrive $0xFFFF  }
0xd2: {  	p0 =	sne.s32 s2, $0x0;
	_ =	strace $0x90000047  }
0xd3: {  	s0 =	sadd.s32 @!p0 $0x100000, s0;
	[bflag:$0x2] =	sbarrier.arrive $0xFFFF  }
0xd4: {  	[sflag:s0] =	ssyncadd.tile.s32 @!p0 $0x1;
	_ =	shalt  }
.Lfunc_end2:
_tile_overlayer_lowered:
.L_overlay_start_2:
0xd5: {  	(tag) =	ssettag $0x2  }
0xd6: {  	s0 =	rddreg [dreg:$0x0];
	s2 =	stileid.u32  }
0xd7: {  	s1 =	rddreg [dreg:$0x1];
	p0 =	sne.s32 s2, $0x0  }
0xd8: {  	s3 =	rddreg [dreg:$0x2];
	[bflag:$0x3] =	sbarrier.arrive $0xFFFF;
	s2 =	simm.s32 @!p0 $0x1C05  }
0xd9: {  	[timem:s3], [sflag:s2] =	dma.local @!p0 [hbm:s0], s1  }
0xda: {  	s0 =	simm.s32 @!p0 $0x5  }
0xdb: {  	_ =	swait.ge @!p0 [sflag:s0], s1  }
0xdc: {  	s1 =	ssub.s32 @!p0 $0x0, s1;
	[sflag:s0] =	ssyncset.done @!p0 $0x0  }
0xdd: {  	[sflag:s0] =	ssyncadd.s32 @!p0 s1  }
0xde: {  	[bflag:$0x3] =	sbarrier.arrive $0xFFFF  }
0xdf: {  	_ =	shalt  }

</sc_bundles>
